<compile_context>
chip_gen: v7x
topology: tpu7x:2x2x1
jax: 0.10.2.dev20260603
libtpu: 0.0.44.dev20260713+nightly
codegen_flags: <defaults>
</compile_context>

<pallas_src>
import functools

import jax
import jax.numpy as jnp
from jax import lax
from jax.experimental import pallas as pl
from jax.experimental.pallas import tpu as pltpu
from jax.experimental.pallas import tpu_sc as plsc

D = 16
S = 50
NC, NS = 2, 16
NW = NC * NS
R_TOTAL = 16384
R_PER_W = R_TOTAL // NW
R_CHUNK = 64
CHUNK = R_CHUNK * S
B_PER_W = R_PER_W * S
N_CHUNKS = R_PER_W // R_CHUNK


def _emb_body(idx_hbm, table_hbm, out_hbm, idx_v, rows0, rows1,
              gsem0, gsem1, wsem0, wsem1):
    wid = lax.axis_index("s") * NC + lax.axis_index("c")
    base = wid * B_PER_W
    row0 = wid * R_PER_W
    rows = (rows0, rows1)
    gsems = (gsem0, gsem1)
    wsems = (wsem0, wsem1)
    pltpu.sync_copy(idx_hbm.at[pl.ds(base, B_PER_W)], idx_v)
    def fire_writebacks(i):
        def body(j, _):
            pltpu.async_copy(
                rows[i % 2].at[pl.ds(j * S, S), :],
                out_hbm.at[row0 + i * R_CHUNK + j, :, :],
                wsems[i % 2])
            return 0

        lax.fori_loop(0, R_CHUNK, body, 0)

    def drain_writebacks(i):
        pltpu.make_async_copy(
            table_hbm.at[pl.ds(0, CHUNK)], rows[i % 2],
            wsems[i % 2]).wait()

    gath = [None] * N_CHUNKS
    gath[0] = pltpu.async_copy(
        table_hbm.at[idx_v.at[pl.ds(0, CHUNK)]], rows[0], gsems[0])
    for i in range(N_CHUNKS):
        if i + 1 < N_CHUNKS:
            if i >= 1:
                drain_writebacks(i - 1)
            gath[i + 1] = pltpu.async_copy(
                table_hbm.at[idx_v.at[pl.ds((i + 1) * CHUNK, CHUNK)]],
                rows[(i + 1) % 2], gsems[(i + 1) % 2])
        gath[i].wait()
        fire_writebacks(i)
    drain_writebacks(N_CHUNKS - 2)
    drain_writebacks(N_CHUNKS - 1)


@jax.jit
def _embed(idx_flat, W):
    mesh = plsc.VectorSubcoreMesh(core_axis_name="c", subcore_axis_name="s")
    fn = functools.partial(
        pl.kernel,
        mesh=mesh,
        out_type=jax.ShapeDtypeStruct((R_TOTAL, S, D), jnp.float32),
        scratch_types=[
            pltpu.VMEM((B_PER_W,), jnp.int32),
            pltpu.VMEM((CHUNK, D), jnp.float32),
            pltpu.VMEM((CHUNK, D), jnp.float32),
            pltpu.SemaphoreType.DMA,
            pltpu.SemaphoreType.DMA,
            pltpu.SemaphoreType.DMA,
            pltpu.SemaphoreType.DMA,
        ],
        compiler_params=pltpu.CompilerParams(use_tc_tiling_on_sc=False),
    )(_emb_body)
    return fn(idx_flat, W)


def kernel(inputs, W):
    return _embed(inputs.reshape(-1), W)

# --- scband reference (transcript-rebuilt; emitter-appended) ---
"""Pipeline reference for scband-fixed-embedding-2052994367616 (READ-ONLY COPY).

The authoritative reference and input builder live on the scoring server;
editing this copy changes nothing except your own understanding.
"""

import jax, jax.numpy as jnp
import numpy as np
import math

C_IN = 1000000
D_MODEL = 16

def _build_table():
    w = np.zeros((C_IN, D_MODEL), dtype=np.float32)
    position = np.expand_dims(np.arange(0, C_IN, dtype=np.float32), 1)
    div_term = np.exp(np.arange(0, D_MODEL, 2, dtype=np.float32) * -(math.log(10000.0) / D_MODEL))
    w[:, 0::2] = np.sin(position * div_term)
    w[:, 1::2] = np.cos(position * div_term)
    return jnp.asarray(w)

def setup_inputs(seed: int = 0) -> dict:
    key = jax.random.key(seed)
    inputs = jax.random.randint(key, (16384, 50), 0, C_IN, dtype=jnp.int64 if jax.config.jax_enable_x64 else jnp.int32).astype(jnp.int32)
    W = _build_table()
    return {"inputs": inputs, "W": W}

def reference(inputs, W):
    # FixedEmbedding.call: embedding = self.emb(inputs)  (table lookup)
    embedding = jnp.take(W, inputs, axis=0)
    return embedding

if __name__ == "__main__":
    import jax
    _d = setup_inputs()
    print(jax.jit(kernel)(*tuple(_d.values())))

</pallas_src>

<mosaic_0001>
#map = affine_map<(d0, d1) -> (0)>
#map1 = affine_map<(d0, d1) -> (0, 0)>
#map2 = affine_map<(d0, d1) -> (0, 0, 0)>
module attributes {stable_mosaic.version = 14 : i64} {
  func.func @_emb_body(%arg0: i32, %arg1: i32, %arg2: memref<819200xi32, #tpu.memory_space<hbm>>, %arg3: memref<1000000x16xf32, #tpu.memory_space<hbm>>, %arg4: memref<16384x50x16xf32, #tpu.memory_space<hbm>>, %arg5: memref<25600xi32, #tpu.memory_space<vmem>>, %arg6: memref<3200x16xf32, #tpu.memory_space<vmem>>, %arg7: memref<3200x16xf32, #tpu.memory_space<vmem>>, %arg8: memref<!tpu.dma_semaphore, #tpu.memory_space<semaphore_mem>>, %arg9: memref<!tpu.dma_semaphore, #tpu.memory_space<semaphore_mem>>, %arg10: memref<!tpu.dma_semaphore, #tpu.memory_space<semaphore_mem>>, %arg11: memref<!tpu.dma_semaphore, #tpu.memory_space<semaphore_mem>>) attributes {dimension_semantics = [#tpu.dimension_semantics<core_parallel>, #tpu.dimension_semantics<subcore_parallel>], iteration_bounds = array<i64: 2, 16>, scalar_prefetch = 0 : i64, scratch_operands = 7 : i64, tpu.core_type = #tpu.core_type<sc_vector_subcore>, window_params = [{transform_indices = #map}, {transform_indices = #map1}, {transform_indices = #map2}]} {
    %mul3A = arith.constant 2 : i32
    %mul3A_0 = arith.muli %arg1, %mul3A : i32
    %add3A = arith.addi %mul3A_0, %arg0 : i32
    %mul3A_1 = arith.constant 25600 : i32
    %mul3A_2 = arith.muli %add3A, %mul3A_1 : i32
    %mul3A_3 = arith.constant 512 : i32
    %mul3A_4 = arith.muli %add3A, %mul3A_3 : i32
    "tpu.region"() ({
      %run_scoped3A = tpu.sem_alloc : memref<!tpu.dma_semaphore, #tpu.memory_space<semaphore_mem>>
      %dma_start3A_186 = tpu.memref_slice %arg2[%mul3A_2] : memref<819200xi32, #tpu.memory_space<hbm>> -> memref<25600xi32, #tpu.memory_space<hbm>>
      %dma_start3A_187 = tpu.memref_slice %arg2[%mul3A_2] : memref<819200xi32, #tpu.memory_space<hbm>> -> memref<25600xi32, #tpu.memory_space<hbm>>
      tpu.enqueue_dma source(%dma_start3A_187 : memref<25600xi32, #tpu.memory_space<hbm>>) target(%arg5 : memref<25600xi32, #tpu.memory_space<vmem>>) target_semaphore(%run_scoped3A : memref<!tpu.dma_semaphore, #tpu.memory_space<semaphore_mem>>)
      %dma_wait3A_188 = tpu.memref_slice %arg2[%mul3A_2] : memref<819200xi32, #tpu.memory_space<hbm>> -> memref<25600xi32, #tpu.memory_space<hbm>>
      %dma_wait3A_189 = tpu.memref_slice %arg2[%mul3A_2] : memref<819200xi32, #tpu.memory_space<hbm>> -> memref<25600xi32, #tpu.memory_space<hbm>>
      tpu.wait_dma2 semaphore(%run_scoped3A : memref<!tpu.dma_semaphore, #tpu.memory_space<semaphore_mem>>) src(%dma_wait3A_189 : memref<25600xi32, #tpu.memory_space<hbm>>) dst(%arg5 : memref<25600xi32, #tpu.memory_space<vmem>>)
      tpu.yield
    }) : () -> ()
    %dma_start3A = arith.constant 0 : i32
    %dma_start3A_5 = tpu.memref_slice %arg5[%dma_start3A] : memref<25600xi32, #tpu.memory_space<vmem>> -> memref<3200xi32, #tpu.memory_space<vmem>>
    %dma_start3A_6 = arith.constant 0 : i32
    %dma_start3A_7 = arith.constant 0 : i32
    %dma_start3A_8 = tpu.memref_slice %arg3[%dma_start3A_6, %dma_start3A_7] : memref<1000000x16xf32, #tpu.memory_space<hbm>> -> memref<1000000x16xf32, #tpu.memory_space<hbm>>
    tpu.enqueue_indirect_dma source(%dma_start3A_8 : memref<1000000x16xf32, #tpu.memory_space<hbm>>) target(%arg6 : memref<3200x16xf32, #tpu.memory_space<vmem>>) offsets(%dma_start3A_5 : memref<3200xi32, #tpu.memory_space<vmem>>) semaphore(%arg8 : memref<!tpu.dma_semaphore, #tpu.memory_space<semaphore_mem>>)
    %dma_start3A_9 = arith.constant 3200 : i32
    %dma_start3A_10 = tpu.memref_slice %arg5[%dma_start3A_9] : memref<25600xi32, #tpu.memory_space<vmem>> -> memref<3200xi32, #tpu.memory_space<vmem>>
    %dma_start3A_11 = arith.constant 0 : i32
    %dma_start3A_12 = arith.constant 0 : i32
    %dma_start3A_13 = tpu.memref_slice %arg3[%dma_start3A_11, %dma_start3A_12] : memref<1000000x16xf32, #tpu.memory_space<hbm>> -> memref<1000000x16xf32, #tpu.memory_space<hbm>>
    tpu.enqueue_indirect_dma source(%dma_start3A_13 : memref<1000000x16xf32, #tpu.memory_space<hbm>>) target(%arg7 : memref<3200x16xf32, #tpu.memory_space<vmem>>) offsets(%dma_start3A_10 : memref<3200xi32, #tpu.memory_space<vmem>>) semaphore(%arg9 : memref<!tpu.dma_semaphore, #tpu.memory_space<semaphore_mem>>)
    %dma_wait3A = arith.constant 0 : i32
    %dma_wait3A_14 = tpu.memref_slice %arg5[%dma_wait3A] : memref<25600xi32, #tpu.memory_space<vmem>> -> memref<3200xi32, #tpu.memory_space<vmem>>
    %dma_wait3A_15 = arith.constant 0 : i32
    %dma_wait3A_16 = arith.constant 0 : i32
    %dma_wait3A_17 = tpu.memref_slice %arg3[%dma_wait3A_15, %dma_wait3A_16] : memref<1000000x16xf32, #tpu.memory_space<hbm>> -> memref<1000000x16xf32, #tpu.memory_space<hbm>>
    tpu.wait_indirect_dma semaphore(%arg8 : memref<!tpu.dma_semaphore, #tpu.memory_space<semaphore_mem>>) src(%dma_wait3A_17 : memref<1000000x16xf32, #tpu.memory_space<hbm>>) dst(%arg6 : memref<3200x16xf32, #tpu.memory_space<vmem>>)
    %scan3A = arith.constant 0 : i32
    %scan3A_18 = arith.constant 0 : i32
    %scan3A_19 = arith.constant 64 : i32
    %scan3A_20 = arith.addi %scan3A_18, %scan3A_19 : i32
    %scan3A_21 = arith.constant 1 : i32
    %scan3A_22 = scf.for %scan3A_186 = %scan3A_18 to %scan3A_20 step %scan3A_21 iter_args(%scan3A_187 = %scan3A) -> (i32)  : i32 {
      %mul3A_188 = arith.constant 50 : i32
      %mul3A_189 = arith.muli %scan3A_186, %mul3A_188 : i32
      %add3A_190 = arith.constant 0 : i32
      %add3A_191 = arith.addi %mul3A_4, %add3A_190 : i32
      %add3A_192 = arith.addi %add3A_191, %scan3A_186 : i32
      %dma_start3A_193 = arith.constant 0 : i32
      %dma_start3A_194 = tpu.memref_slice %arg6[%mul3A_189, %dma_start3A_193] : memref<3200x16xf32, #tpu.memory_space<vmem>> -> memref<50x16xf32, #tpu.memory_space<vmem>>
      %dma_start3A_195 = arith.constant 0 : i32
      %dma_start3A_196 = arith.constant 0 : i32
      %dma_start3A_197 = tpu.memref_slice %arg4[%add3A_192, %dma_start3A_195, %dma_start3A_196] : memref<16384x50x16xf32, #tpu.memory_space<hbm>> -> memref<1x50x16xf32, #tpu.memory_space<hbm>>
      %dma_start3A_198 = tpu.memref_squeeze %dma_start3A_197 : memref<1x50x16xf32, #tpu.memory_space<hbm>> -> memref<50x16xf32, #tpu.memory_space<hbm>>
      %dma_start3A_199 = arith.constant 0 : i32
      %dma_start3A_200 = arith.constant 0 : i32
      %dma_start3A_201 = tpu.memref_slice %arg4[%add3A_192, %dma_start3A_199, %dma_start3A_200] : memref<16384x50x16xf32, #tpu.memory_space<hbm>> -> memref<1x50x16xf32, #tpu.memory_space<hbm>>
      %dma_start3A_202 = tpu.memref_squeeze %dma_start3A_201 : memref<1x50x16xf32, #tpu.memory_space<hbm>> -> memref<50x16xf32, #tpu.memory_space<hbm>>
      %dma_start3A_203 = arith.constant 0 : i32
      %dma_start3A_204 = tpu.memref_slice %arg6[%mul3A_189, %dma_start3A_203] : memref<3200x16xf32, #tpu.memory_space<vmem>> -> memref<50x16xf32, #tpu.memory_space<vmem>>
      tpu.enqueue_dma source(%dma_start3A_204 : memref<50x16xf32, #tpu.memory_space<vmem>>) target(%dma_start3A_202 : memref<50x16xf32, #tpu.memory_space<hbm>>) target_semaphore(%arg10 : memref<!tpu.dma_semaphore, #tpu.memory_space<semaphore_mem>>)
      %scan3A_205 = arith.constant 0 : i32
      scf.yield %scan3A_205 : i32
    }
    %scan3A_23 = arith.constant 64 : i32
    %dma_wait3A_24 = arith.constant 0 : i32
    %dma_wait3A_25 = arith.constant 0 : i32
    %dma_wait3A_26 = tpu.memref_slice %arg3[%dma_wait3A_24, %dma_wait3A_25] : memref<1000000x16xf32, #tpu.memory_space<hbm>> -> memref<3200x16xf32, #tpu.memory_space<hbm>>
    %dma_wait3A_27 = arith.constant 0 : i32
    %dma_wait3A_28 = arith.constant 0 : i32
    %dma_wait3A_29 = tpu.memref_slice %arg3[%dma_wait3A_27, %dma_wait3A_28] : memref<1000000x16xf32, #tpu.memory_space<hbm>> -> memref<3200x16xf32, #tpu.memory_space<hbm>>
    tpu.wait_dma2 semaphore(%arg10 : memref<!tpu.dma_semaphore, #tpu.memory_space<semaphore_mem>>) src(%dma_wait3A_29 : memref<3200x16xf32, #tpu.memory_space<hbm>>) dst(%arg6 : memref<3200x16xf32, #tpu.memory_space<vmem>>)
    %dma_start3A_30 = arith.constant 6400 : i32
    %dma_start3A_31 = tpu.memref_slice %arg5[%dma_start3A_30] : memref<25600xi32, #tpu.memory_space<vmem>> -> memref<3200xi32, #tpu.memory_space<vmem>>
    %dma_start3A_32 = arith.constant 0 : i32
    %dma_start3A_33 = arith.constant 0 : i32
    %dma_start3A_34 = tpu.memref_slice %arg3[%dma_start3A_32, %dma_start3A_33] : memref<1000000x16xf32, #tpu.memory_space<hbm>> -> memref<1000000x16xf32, #tpu.memory_space<hbm>>
    tpu.enqueue_indirect_dma source(%dma_start3A_34 : memref<1000000x16xf32, #tpu.memory_space<hbm>>) target(%arg6 : memref<3200x16xf32, #tpu.memory_space<vmem>>) offsets(%dma_start3A_31 : memref<3200xi32, #tpu.memory_space<vmem>>) semaphore(%arg8 : memref<!tpu.dma_semaphore, #tpu.memory_space<semaphore_mem>>)
    %dma_wait3A_35 = arith.constant 3200 : i32
    %dma_wait3A_36 = tpu.memref_slice %arg5[%dma_wait3A_35] : memref<25600xi32, #tpu.memory_space<vmem>> -> memref<3200xi32, #tpu.memory_space<vmem>>
    %dma_wait3A_37 = arith.constant 0 : i32
    %dma_wait3A_38 = arith.constant 0 : i32
    %dma_wait3A_39 = tpu.memref_slice %arg3[%dma_wait3A_37, %dma_wait3A_38] : memref<1000000x16xf32, #tpu.memory_space<hbm>> -> memref<1000000x16xf32, #tpu.memory_space<hbm>>
    tpu.wait_indirect_dma semaphore(%arg9 : memref<!tpu.dma_semaphore, #tpu.memory_space<semaphore_mem>>) src(%dma_wait3A_39 : memref<1000000x16xf32, #tpu.memory_space<hbm>>) dst(%arg7 : memref<3200x16xf32, #tpu.memory_space<vmem>>)
    %scan3A_40 = arith.constant 0 : i32
    %scan3A_41 = arith.constant 0 : i32
    %scan3A_42 = arith.constant 64 : i32
    %scan3A_43 = arith.addi %scan3A_41, %scan3A_42 : i32
    %scan3A_44 = arith.constant 1 : i32
    %scan3A_45 = scf.for %scan3A_186 = %scan3A_41 to %scan3A_43 step %scan3A_44 iter_args(%scan3A_187 = %scan3A_40) -> (i32)  : i32 {
      %mul3A_188 = arith.constant 50 : i32
      %mul3A_189 = arith.muli %scan3A_186, %mul3A_188 : i32
      %add3A_190 = arith.constant 64 : i32
      %add3A_191 = arith.addi %mul3A_4, %add3A_190 : i32
      %add3A_192 = arith.addi %add3A_191, %scan3A_186 : i32
      %dma_start3A_193 = arith.constant 0 : i32
      %dma_start3A_194 = tpu.memref_slice %arg7[%mul3A_189, %dma_start3A_193] : memref<3200x16xf32, #tpu.memory_space<vmem>> -> memref<50x16xf32, #tpu.memory_space<vmem>>
      %dma_start3A_195 = arith.constant 0 : i32
      %dma_start3A_196 = arith.constant 0 : i32
      %dma_start3A_197 = tpu.memref_slice %arg4[%add3A_192, %dma_start3A_195, %dma_start3A_196] : memref<16384x50x16xf32, #tpu.memory_space<hbm>> -> memref<1x50x16xf32, #tpu.memory_space<hbm>>
      %dma_start3A_198 = tpu.memref_squeeze %dma_start3A_197 : memref<1x50x16xf32, #tpu.memory_space<hbm>> -> memref<50x16xf32, #tpu.memory_space<hbm>>
      %dma_start3A_199 = arith.constant 0 : i32
      %dma_start3A_200 = arith.constant 0 : i32
      %dma_start3A_201 = tpu.memref_slice %arg4[%add3A_192, %dma_start3A_199, %dma_start3A_200] : memref<16384x50x16xf32, #tpu.memory_space<hbm>> -> memref<1x50x16xf32, #tpu.memory_space<hbm>>
      %dma_start3A_202 = tpu.memref_squeeze %dma_start3A_201 : memref<1x50x16xf32, #tpu.memory_space<hbm>> -> memref<50x16xf32, #tpu.memory_space<hbm>>
      %dma_start3A_203 = arith.constant 0 : i32
      %dma_start3A_204 = tpu.memref_slice %arg7[%mul3A_189, %dma_start3A_203] : memref<3200x16xf32, #tpu.memory_space<vmem>> -> memref<50x16xf32, #tpu.memory_space<vmem>>
      tpu.enqueue_dma source(%dma_start3A_204 : memref<50x16xf32, #tpu.memory_space<vmem>>) target(%dma_start3A_202 : memref<50x16xf32, #tpu.memory_space<hbm>>) target_semaphore(%arg11 : memref<!tpu.dma_semaphore, #tpu.memory_space<semaphore_mem>>)
      %scan3A_205 = arith.constant 0 : i32
      scf.yield %scan3A_205 : i32
    }
    %scan3A_46 = arith.constant 64 : i32
    %dma_wait3A_47 = arith.constant 0 : i32
    %dma_wait3A_48 = arith.constant 0 : i32
    %dma_wait3A_49 = tpu.memref_slice %arg3[%dma_wait3A_47, %dma_wait3A_48] : memref<1000000x16xf32, #tpu.memory_space<hbm>> -> memref<3200x16xf32, #tpu.memory_space<hbm>>
    %dma_wait3A_50 = arith.constant 0 : i32
    %dma_wait3A_51 = arith.constant 0 : i32
    %dma_wait3A_52 = tpu.memref_slice %arg3[%dma_wait3A_50, %dma_wait3A_51] : memref<1000000x16xf32, #tpu.memory_space<hbm>> -> memref<3200x16xf32, #tpu.memory_space<hbm>>
    tpu.wait_dma2 semaphore(%arg11 : memref<!tpu.dma_semaphore, #tpu.memory_space<semaphore_mem>>) src(%dma_wait3A_52 : memref<3200x16xf32, #tpu.memory_space<hbm>>) dst(%arg7 : memref<3200x16xf32, #tpu.memory_space<vmem>>)
    %dma_start3A_53 = arith.constant 9600 : i32
    %dma_start3A_54 = tpu.memref_slice %arg5[%dma_start3A_53] : memref<25600xi32, #tpu.memory_space<vmem>> -> memref<3200xi32, #tpu.memory_space<vmem>>
    %dma_start3A_55 = arith.constant 0 : i32
    %dma_start3A_56 = arith.constant 0 : i32
    %dma_start3A_57 = tpu.memref_slice %arg3[%dma_start3A_55, %dma_start3A_56] : memref<1000000x16xf32, #tpu.memory_space<hbm>> -> memref<1000000x16xf32, #tpu.memory_space<hbm>>
    tpu.enqueue_indirect_dma source(%dma_start3A_57 : memref<1000000x16xf32, #tpu.memory_space<hbm>>) target(%arg7 : memref<3200x16xf32, #tpu.memory_space<vmem>>) offsets(%dma_start3A_54 : memref<3200xi32, #tpu.memory_space<vmem>>) semaphore(%arg9 : memref<!tpu.dma_semaphore, #tpu.memory_space<semaphore_mem>>)
    %dma_wait3A_58 = arith.constant 6400 : i32
    %dma_wait3A_59 = tpu.memref_slice %arg5[%dma_wait3A_58] : memref<25600xi32, #tpu.memory_space<vmem>> -> memref<3200xi32, #tpu.memory_space<vmem>>
    %dma_wait3A_60 = arith.constant 0 : i32
    %dma_wait3A_61 = arith.constant 0 : i32
    %dma_wait3A_62 = tpu.memref_slice %arg3[%dma_wait3A_60, %dma_wait3A_61] : memref<1000000x16xf32, #tpu.memory_space<hbm>> -> memref<1000000x16xf32, #tpu.memory_space<hbm>>
    tpu.wait_indirect_dma semaphore(%arg8 : memref<!tpu.dma_semaphore, #tpu.memory_space<semaphore_mem>>) src(%dma_wait3A_62 : memref<1000000x16xf32, #tpu.memory_space<hbm>>) dst(%arg6 : memref<3200x16xf32, #tpu.memory_space<vmem>>)
    %scan3A_63 = arith.constant 0 : i32
    %scan3A_64 = arith.constant 0 : i32
    %scan3A_65 = arith.constant 64 : i32
    %scan3A_66 = arith.addi %scan3A_64, %scan3A_65 : i32
    %scan3A_67 = arith.constant 1 : i32
    %scan3A_68 = scf.for %scan3A_186 = %scan3A_64 to %scan3A_66 step %scan3A_67 iter_args(%scan3A_187 = %scan3A_63) -> (i32)  : i32 {
      %mul3A_188 = arith.constant 50 : i32
      %mul3A_189 = arith.muli %scan3A_186, %mul3A_188 : i32
      %add3A_190 = arith.constant 128 : i32
      %add3A_191 = arith.addi %mul3A_4, %add3A_190 : i32
      %add3A_192 = arith.addi %add3A_191, %scan3A_186 : i32
      %dma_start3A_193 = arith.constant 0 : i32
      %dma_start3A_194 = tpu.memref_slice %arg6[%mul3A_189, %dma_start3A_193] : memref<3200x16xf32, #tpu.memory_space<vmem>> -> memref<50x16xf32, #tpu.memory_space<vmem>>
      %dma_start3A_195 = arith.constant 0 : i32
      %dma_start3A_196 = arith.constant 0 : i32
      %dma_start3A_197 = tpu.memref_slice %arg4[%add3A_192, %dma_start3A_195, %dma_start3A_196] : memref<16384x50x16xf32, #tpu.memory_space<hbm>> -> memref<1x50x16xf32, #tpu.memory_space<hbm>>
      %dma_start3A_198 = tpu.memref_squeeze %dma_start3A_197 : memref<1x50x16xf32, #tpu.memory_space<hbm>> -> memref<50x16xf32, #tpu.memory_space<hbm>>
      %dma_start3A_199 = arith.constant 0 : i32
      %dma_start3A_200 = arith.constant 0 : i32
      %dma_start3A_201 = tpu.memref_slice %arg4[%add3A_192, %dma_start3A_199, %dma_start3A_200] : memref<16384x50x16xf32, #tpu.memory_space<hbm>> -> memref<1x50x16xf32, #tpu.memory_space<hbm>>
      %dma_start3A_202 = tpu.memref_squeeze %dma_start3A_201 : memref<1x50x16xf32, #tpu.memory_space<hbm>> -> memref<50x16xf32, #tpu.memory_space<hbm>>
      %dma_start3A_203 = arith.constant 0 : i32
      %dma_start3A_204 = tpu.memref_slice %arg6[%mul3A_189, %dma_start3A_203] : memref<3200x16xf32, #tpu.memory_space<vmem>> -> memref<50x16xf32, #tpu.memory_space<vmem>>
      tpu.enqueue_dma source(%dma_start3A_204 : memref<50x16xf32, #tpu.memory_space<vmem>>) target(%dma_start3A_202 : memref<50x16xf32, #tpu.memory_space<hbm>>) target_semaphore(%arg10 : memref<!tpu.dma_semaphore, #tpu.memory_space<semaphore_mem>>)
      %scan3A_205 = arith.constant 0 : i32
      scf.yield %scan3A_205 : i32
    }
    %scan3A_69 = arith.constant 64 : i32
    %dma_wait3A_70 = arith.constant 0 : i32
    %dma_wait3A_71 = arith.constant 0 : i32
    %dma_wait3A_72 = tpu.memref_slice %arg3[%dma_wait3A_70, %dma_wait3A_71] : memref<1000000x16xf32, #tpu.memory_space<hbm>> -> memref<3200x16xf32, #tpu.memory_space<hbm>>
    %dma_wait3A_73 = arith.constant 0 : i32
    %dma_wait3A_74 = arith.constant 0 : i32
    %dma_wait3A_75 = tpu.memref_slice %arg3[%dma_wait3A_73, %dma_wait3A_74] : memref<1000000x16xf32, #tpu.memory_space<hbm>> -> memref<3200x16xf32, #tpu.memory_space<hbm>>
    tpu.wait_dma2 semaphore(%arg10 : memref<!tpu.dma_semaphore, #tpu.memory_space<semaphore_mem>>) src(%dma_wait3A_75 : memref<3200x16xf32, #tpu.memory_space<hbm>>) dst(%arg6 : memref<3200x16xf32, #tpu.memory_space<vmem>>)
    %dma_start3A_76 = arith.constant 12800 : i32
    %dma_start3A_77 = tpu.memref_slice %arg5[%dma_start3A_76] : memref<25600xi32, #tpu.memory_space<vmem>> -> memref<3200xi32, #tpu.memory_space<vmem>>
    %dma_start3A_78 = arith.constant 0 : i32
    %dma_start3A_79 = arith.constant 0 : i32
    %dma_start3A_80 = tpu.memref_slice %arg3[%dma_start3A_78, %dma_start3A_79] : memref<1000000x16xf32, #tpu.memory_space<hbm>> -> memref<1000000x16xf32, #tpu.memory_space<hbm>>
    tpu.enqueue_indirect_dma source(%dma_start3A_80 : memref<1000000x16xf32, #tpu.memory_space<hbm>>) target(%arg6 : memref<3200x16xf32, #tpu.memory_space<vmem>>) offsets(%dma_start3A_77 : memref<3200xi32, #tpu.memory_space<vmem>>) semaphore(%arg8 : memref<!tpu.dma_semaphore, #tpu.memory_space<semaphore_mem>>)
    %dma_wait3A_81 = arith.constant 9600 : i32
    %dma_wait3A_82 = tpu.memref_slice %arg5[%dma_wait3A_81] : memref<25600xi32, #tpu.memory_space<vmem>> -> memref<3200xi32, #tpu.memory_space<vmem>>
    %dma_wait3A_83 = arith.constant 0 : i32
    %dma_wait3A_84 = arith.constant 0 : i32
    %dma_wait3A_85 = tpu.memref_slice %arg3[%dma_wait3A_83, %dma_wait3A_84] : memref<1000000x16xf32, #tpu.memory_space<hbm>> -> memref<1000000x16xf32, #tpu.memory_space<hbm>>
    tpu.wait_indirect_dma semaphore(%arg9 : memref<!tpu.dma_semaphore, #tpu.memory_space<semaphore_mem>>) src(%dma_wait3A_85 : memref<1000000x16xf32, #tpu.memory_space<hbm>>) dst(%arg7 : memref<3200x16xf32, #tpu.memory_space<vmem>>)
    %scan3A_86 = arith.constant 0 : i32
    %scan3A_87 = arith.constant 0 : i32
    %scan3A_88 = arith.constant 64 : i32
    %scan3A_89 = arith.addi %scan3A_87, %scan3A_88 : i32
    %scan3A_90 = arith.constant 1 : i32
    %scan3A_91 = scf.for %scan3A_186 = %scan3A_87 to %scan3A_89 step %scan3A_90 iter_args(%scan3A_187 = %scan3A_86) -> (i32)  : i32 {
      %mul3A_188 = arith.constant 50 : i32
      %mul3A_189 = arith.muli %scan3A_186, %mul3A_188 : i32
      %add3A_190 = arith.constant 192 : i32
      %add3A_191 = arith.addi %mul3A_4, %add3A_190 : i32
      %add3A_192 = arith.addi %add3A_191, %scan3A_186 : i32
      %dma_start3A_193 = arith.constant 0 : i32
      %dma_start3A_194 = tpu.memref_slice %arg7[%mul3A_189, %dma_start3A_193] : memref<3200x16xf32, #tpu.memory_space<vmem>> -> memref<50x16xf32, #tpu.memory_space<vmem>>
      %dma_start3A_195 = arith.constant 0 : i32
      %dma_start3A_196 = arith.constant 0 : i32
      %dma_start3A_197 = tpu.memref_slice %arg4[%add3A_192, %dma_start3A_195, %dma_start3A_196] : memref<16384x50x16xf32, #tpu.memory_space<hbm>> -> memref<1x50x16xf32, #tpu.memory_space<hbm>>
      %dma_start3A_198 = tpu.memref_squeeze %dma_start3A_197 : memref<1x50x16xf32, #tpu.memory_space<hbm>> -> memref<50x16xf32, #tpu.memory_space<hbm>>
      %dma_start3A_199 = arith.constant 0 : i32
      %dma_start3A_200 = arith.constant 0 : i32
      %dma_start3A_201 = tpu.memref_slice %arg4[%add3A_192, %dma_start3A_199, %dma_start3A_200] : memref<16384x50x16xf32, #tpu.memory_space<hbm>> -> memref<1x50x16xf32, #tpu.memory_space<hbm>>
      %dma_start3A_202 = tpu.memref_squeeze %dma_start3A_201 : memref<1x50x16xf32, #tpu.memory_space<hbm>> -> memref<50x16xf32, #tpu.memory_space<hbm>>
      %dma_start3A_203 = arith.constant 0 : i32
      %dma_start3A_204 = tpu.memref_slice %arg7[%mul3A_189, %dma_start3A_203] : memref<3200x16xf32, #tpu.memory_space<vmem>> -> memref<50x16xf32, #tpu.memory_space<vmem>>
      tpu.enqueue_dma source(%dma_start3A_204 : memref<50x16xf32, #tpu.memory_space<vmem>>) target(%dma_start3A_202 : memref<50x16xf32, #tpu.memory_space<hbm>>) target_semaphore(%arg11 : memref<!tpu.dma_semaphore, #tpu.memory_space<semaphore_mem>>)
      %scan3A_205 = arith.constant 0 : i32
      scf.yield %scan3A_205 : i32
    }
    %scan3A_92 = arith.constant 64 : i32
    %dma_wait3A_93 = arith.constant 0 : i32
    %dma_wait3A_94 = arith.constant 0 : i32
    %dma_wait3A_95 = tpu.memref_slice %arg3[%dma_wait3A_93, %dma_wait3A_94] : memref<1000000x16xf32, #tpu.memory_space<hbm>> -> memref<3200x16xf32, #tpu.memory_space<hbm>>
    %dma_wait3A_96 = arith.constant 0 : i32
    %dma_wait3A_97 = arith.constant 0 : i32
    %dma_wait3A_98 = tpu.memref_slice %arg3[%dma_wait3A_96, %dma_wait3A_97] : memref<1000000x16xf32, #tpu.memory_space<hbm>> -> memref<3200x16xf32, #tpu.memory_space<hbm>>
    tpu.wait_dma2 semaphore(%arg11 : memref<!tpu.dma_semaphore, #tpu.memory_space<semaphore_mem>>) src(%dma_wait3A_98 : memref<3200x16xf32, #tpu.memory_space<hbm>>) dst(%arg7 : memref<3200x16xf32, #tpu.memory_space<vmem>>)
    %dma_start3A_99 = arith.constant 16000 : i32
    %dma_start3A_100 = tpu.memref_slice %arg5[%dma_start3A_99] : memref<25600xi32, #tpu.memory_space<vmem>> -> memref<3200xi32, #tpu.memory_space<vmem>>
    %dma_start3A_101 = arith.constant 0 : i32
    %dma_start3A_102 = arith.constant 0 : i32
    %dma_start3A_103 = tpu.memref_slice %arg3[%dma_start3A_101, %dma_start3A_102] : memref<1000000x16xf32, #tpu.memory_space<hbm>> -> memref<1000000x16xf32, #tpu.memory_space<hbm>>
    tpu.enqueue_indirect_dma source(%dma_start3A_103 : memref<1000000x16xf32, #tpu.memory_space<hbm>>) target(%arg7 : memref<3200x16xf32, #tpu.memory_space<vmem>>) offsets(%dma_start3A_100 : memref<3200xi32, #tpu.memory_space<vmem>>) semaphore(%arg9 : memref<!tpu.dma_semaphore, #tpu.memory_space<semaphore_mem>>)
    %dma_wait3A_104 = arith.constant 12800 : i32
    %dma_wait3A_105 = tpu.memref_slice %arg5[%dma_wait3A_104] : memref<25600xi32, #tpu.memory_space<vmem>> -> memref<3200xi32, #tpu.memory_space<vmem>>
    %dma_wait3A_106 = arith.constant 0 : i32
    %dma_wait3A_107 = arith.constant 0 : i32
    %dma_wait3A_108 = tpu.memref_slice %arg3[%dma_wait3A_106, %dma_wait3A_107] : memref<1000000x16xf32, #tpu.memory_space<hbm>> -> memref<1000000x16xf32, #tpu.memory_space<hbm>>
    tpu.wait_indirect_dma semaphore(%arg8 : memref<!tpu.dma_semaphore, #tpu.memory_space<semaphore_mem>>) src(%dma_wait3A_108 : memref<1000000x16xf32, #tpu.memory_space<hbm>>) dst(%arg6 : memref<3200x16xf32, #tpu.memory_space<vmem>>)
    %scan3A_109 = arith.constant 0 : i32
    %scan3A_110 = arith.constant 0 : i32
    %scan3A_111 = arith.constant 64 : i32
    %scan3A_112 = arith.addi %scan3A_110, %scan3A_111 : i32
    %scan3A_113 = arith.constant 1 : i32
    %scan3A_114 = scf.for %scan3A_186 = %scan3A_110 to %scan3A_112 step %scan3A_113 iter_args(%scan3A_187 = %scan3A_109) -> (i32)  : i32 {
      %mul3A_188 = arith.constant 50 : i32
      %mul3A_189 = arith.muli %scan3A_186, %mul3A_188 : i32
      %add3A_190 = arith.constant 256 : i32
      %add3A_191 = arith.addi %mul3A_4, %add3A_190 : i32
      %add3A_192 = arith.addi %add3A_191, %scan3A_186 : i32
      %dma_start3A_193 = arith.constant 0 : i32
      %dma_start3A_194 = tpu.memref_slice %arg6[%mul3A_189, %dma_start3A_193] : memref<3200x16xf32, #tpu.memory_space<vmem>> -> memref<50x16xf32, #tpu.memory_space<vmem>>
      %dma_start3A_195 = arith.constant 0 : i32
      %dma_start3A_196 = arith.constant 0 : i32
      %dma_start3A_197 = tpu.memref_slice %arg4[%add3A_192, %dma_start3A_195, %dma_start3A_196] : memref<16384x50x16xf32, #tpu.memory_space<hbm>> -> memref<1x50x16xf32, #tpu.memory_space<hbm>>
      %dma_start3A_198 = tpu.memref_squeeze %dma_start3A_197 : memref<1x50x16xf32, #tpu.memory_space<hbm>> -> memref<50x16xf32, #tpu.memory_space<hbm>>
      %dma_start3A_199 = arith.constant 0 : i32
      %dma_start3A_200 = arith.constant 0 : i32
      %dma_start3A_201 = tpu.memref_slice %arg4[%add3A_192, %dma_start3A_199, %dma_start3A_200] : memref<16384x50x16xf32, #tpu.memory_space<hbm>> -> memref<1x50x16xf32, #tpu.memory_space<hbm>>
      %dma_start3A_202 = tpu.memref_squeeze %dma_start3A_201 : memref<1x50x16xf32, #tpu.memory_space<hbm>> -> memref<50x16xf32, #tpu.memory_space<hbm>>
      %dma_start3A_203 = arith.constant 0 : i32
      %dma_start3A_204 = tpu.memref_slice %arg6[%mul3A_189, %dma_start3A_203] : memref<3200x16xf32, #tpu.memory_space<vmem>> -> memref<50x16xf32, #tpu.memory_space<vmem>>
      tpu.enqueue_dma source(%dma_start3A_204 : memref<50x16xf32, #tpu.memory_space<vmem>>) target(%dma_start3A_202 : memref<50x16xf32, #tpu.memory_space<hbm>>) target_semaphore(%arg10 : memref<!tpu.dma_semaphore, #tpu.memory_space<semaphore_mem>>)
      %scan3A_205 = arith.constant 0 : i32
      scf.yield %scan3A_205 : i32
    }
    %scan3A_115 = arith.constant 64 : i32
    %dma_wait3A_116 = arith.constant 0 : i32
    %dma_wait3A_117 = arith.constant 0 : i32
    %dma_wait3A_118 = tpu.memref_slice %arg3[%dma_wait3A_116, %dma_wait3A_117] : memref<1000000x16xf32, #tpu.memory_space<hbm>> -> memref<3200x16xf32, #tpu.memory_space<hbm>>
    %dma_wait3A_119 = arith.constant 0 : i32
    %dma_wait3A_120 = arith.constant 0 : i32
    %dma_wait3A_121 = tpu.memref_slice %arg3[%dma_wait3A_119, %dma_wait3A_120] : memref<1000000x16xf32, #tpu.memory_space<hbm>> -> memref<3200x16xf32, #tpu.memory_space<hbm>>
    tpu.wait_dma2 semaphore(%arg10 : memref<!tpu.dma_semaphore, #tpu.memory_space<semaphore_mem>>) src(%dma_wait3A_121 : memref<3200x16xf32, #tpu.memory_space<hbm>>) dst(%arg6 : memref<3200x16xf32, #tpu.memory_space<vmem>>)
    %dma_start3A_122 = arith.constant 19200 : i32
    %dma_start3A_123 = tpu.memref_slice %arg5[%dma_start3A_122] : memref<25600xi32, #tpu.memory_space<vmem>> -> memref<3200xi32, #tpu.memory_space<vmem>>
    %dma_start3A_124 = arith.constant 0 : i32
    %dma_start3A_125 = arith.constant 0 : i32
    %dma_start3A_126 = tpu.memref_slice %arg3[%dma_start3A_124, %dma_start3A_125] : memref<1000000x16xf32, #tpu.memory_space<hbm>> -> memref<1000000x16xf32, #tpu.memory_space<hbm>>
    tpu.enqueue_indirect_dma source(%dma_start3A_126 : memref<1000000x16xf32, #tpu.memory_space<hbm>>) target(%arg6 : memref<3200x16xf32, #tpu.memory_space<vmem>>) offsets(%dma_start3A_123 : memref<3200xi32, #tpu.memory_space<vmem>>) semaphore(%arg8 : memref<!tpu.dma_semaphore, #tpu.memory_space<semaphore_mem>>)
    %dma_wait3A_127 = arith.constant 16000 : i32
    %dma_wait3A_128 = tpu.memref_slice %arg5[%dma_wait3A_127] : memref<25600xi32, #tpu.memory_space<vmem>> -> memref<3200xi32, #tpu.memory_space<vmem>>
    %dma_wait3A_129 = arith.constant 0 : i32
    %dma_wait3A_130 = arith.constant 0 : i32
    %dma_wait3A_131 = tpu.memref_slice %arg3[%dma_wait3A_129, %dma_wait3A_130] : memref<1000000x16xf32, #tpu.memory_space<hbm>> -> memref<1000000x16xf32, #tpu.memory_space<hbm>>
    tpu.wait_indirect_dma semaphore(%arg9 : memref<!tpu.dma_semaphore, #tpu.memory_space<semaphore_mem>>) src(%dma_wait3A_131 : memref<1000000x16xf32, #tpu.memory_space<hbm>>) dst(%arg7 : memref<3200x16xf32, #tpu.memory_space<vmem>>)
    %scan3A_132 = arith.constant 0 : i32
    %scan3A_133 = arith.constant 0 : i32
    %scan3A_134 = arith.constant 64 : i32
    %scan3A_135 = arith.addi %scan3A_133, %scan3A_134 : i32
    %scan3A_136 = arith.constant 1 : i32
    %scan3A_137 = scf.for %scan3A_186 = %scan3A_133 to %scan3A_135 step %scan3A_136 iter_args(%scan3A_187 = %scan3A_132) -> (i32)  : i32 {
      %mul3A_188 = arith.constant 50 : i32
      %mul3A_189 = arith.muli %scan3A_186, %mul3A_188 : i32
      %add3A_190 = arith.constant 320 : i32
      %add3A_191 = arith.addi %mul3A_4, %add3A_190 : i32
      %add3A_192 = arith.addi %add3A_191, %scan3A_186 : i32
      %dma_start3A_193 = arith.constant 0 : i32
      %dma_start3A_194 = tpu.memref_slice %arg7[%mul3A_189, %dma_start3A_193] : memref<3200x16xf32, #tpu.memory_space<vmem>> -> memref<50x16xf32, #tpu.memory_space<vmem>>
      %dma_start3A_195 = arith.constant 0 : i32
      %dma_start3A_196 = arith.constant 0 : i32
      %dma_start3A_197 = tpu.memref_slice %arg4[%add3A_192, %dma_start3A_195, %dma_start3A_196] : memref<16384x50x16xf32, #tpu.memory_space<hbm>> -> memref<1x50x16xf32, #tpu.memory_space<hbm>>
      %dma_start3A_198 = tpu.memref_squeeze %dma_start3A_197 : memref<1x50x16xf32, #tpu.memory_space<hbm>> -> memref<50x16xf32, #tpu.memory_space<hbm>>
      %dma_start3A_199 = arith.constant 0 : i32
      %dma_start3A_200 = arith.constant 0 : i32
      %dma_start3A_201 = tpu.memref_slice %arg4[%add3A_192, %dma_start3A_199, %dma_start3A_200] : memref<16384x50x16xf32, #tpu.memory_space<hbm>> -> memref<1x50x16xf32, #tpu.memory_space<hbm>>
      %dma_start3A_202 = tpu.memref_squeeze %dma_start3A_201 : memref<1x50x16xf32, #tpu.memory_space<hbm>> -> memref<50x16xf32, #tpu.memory_space<hbm>>
      %dma_start3A_203 = arith.constant 0 : i32
      %dma_start3A_204 = tpu.memref_slice %arg7[%mul3A_189, %dma_start3A_203] : memref<3200x16xf32, #tpu.memory_space<vmem>> -> memref<50x16xf32, #tpu.memory_space<vmem>>
      tpu.enqueue_dma source(%dma_start3A_204 : memref<50x16xf32, #tpu.memory_space<vmem>>) target(%dma_start3A_202 : memref<50x16xf32, #tpu.memory_space<hbm>>) target_semaphore(%arg11 : memref<!tpu.dma_semaphore, #tpu.memory_space<semaphore_mem>>)
      %scan3A_205 = arith.constant 0 : i32
      scf.yield %scan3A_205 : i32
    }
    %scan3A_138 = arith.constant 64 : i32
    %dma_wait3A_139 = arith.constant 0 : i32
    %dma_wait3A_140 = arith.constant 0 : i32
    %dma_wait3A_141 = tpu.memref_slice %arg3[%dma_wait3A_139, %dma_wait3A_140] : memref<1000000x16xf32, #tpu.memory_space<hbm>> -> memref<3200x16xf32, #tpu.memory_space<hbm>>
    %dma_wait3A_142 = arith.constant 0 : i32
    %dma_wait3A_143 = arith.constant 0 : i32
    %dma_wait3A_144 = tpu.memref_slice %arg3[%dma_wait3A_142, %dma_wait3A_143] : memref<1000000x16xf32, #tpu.memory_space<hbm>> -> memref<3200x16xf32, #tpu.memory_space<hbm>>
    tpu.wait_dma2 semaphore(%arg11 : memref<!tpu.dma_semaphore, #tpu.memory_space<semaphore_mem>>) src(%dma_wait3A_144 : memref<3200x16xf32, #tpu.memory_space<hbm>>) dst(%arg7 : memref<3200x16xf32, #tpu.memory_space<vmem>>)
    %dma_start3A_145 = arith.constant 22400 : i32
    %dma_start3A_146 = tpu.memref_slice %arg5[%dma_start3A_145] : memref<25600xi32, #tpu.memory_space<vmem>> -> memref<3200xi32, #tpu.memory_space<vmem>>
    %dma_start3A_147 = arith.constant 0 : i32
    %dma_start3A_148 = arith.constant 0 : i32
    %dma_start3A_149 = tpu.memref_slice %arg3[%dma_start3A_147, %dma_start3A_148] : memref<1000000x16xf32, #tpu.memory_space<hbm>> -> memref<1000000x16xf32, #tpu.memory_space<hbm>>
    tpu.enqueue_indirect_dma source(%dma_start3A_149 : memref<1000000x16xf32, #tpu.memory_space<hbm>>) target(%arg7 : memref<3200x16xf32, #tpu.memory_space<vmem>>) offsets(%dma_start3A_146 : memref<3200xi32, #tpu.memory_space<vmem>>) semaphore(%arg9 : memref<!tpu.dma_semaphore, #tpu.memory_space<semaphore_mem>>)
    %dma_wait3A_150 = arith.constant 19200 : i32
    %dma_wait3A_151 = tpu.memref_slice %arg5[%dma_wait3A_150] : memref<25600xi32, #tpu.memory_space<vmem>> -> memref<3200xi32, #tpu.memory_space<vmem>>
    %dma_wait3A_152 = arith.constant 0 : i32
    %dma_wait3A_153 = arith.constant 0 : i32
    %dma_wait3A_154 = tpu.memref_slice %arg3[%dma_wait3A_152, %dma_wait3A_153] : memref<1000000x16xf32, #tpu.memory_space<hbm>> -> memref<1000000x16xf32, #tpu.memory_space<hbm>>
    tpu.wait_indirect_dma semaphore(%arg8 : memref<!tpu.dma_semaphore, #tpu.memory_space<semaphore_mem>>) src(%dma_wait3A_154 : memref<1000000x16xf32, #tpu.memory_space<hbm>>) dst(%arg6 : memref<3200x16xf32, #tpu.memory_space<vmem>>)
    %scan3A_155 = arith.constant 0 : i32
    %scan3A_156 = arith.constant 0 : i32
    %scan3A_157 = arith.constant 64 : i32
    %scan3A_158 = arith.addi %scan3A_156, %scan3A_157 : i32
    %scan3A_159 = arith.constant 1 : i32
    %scan3A_160 = scf.for %scan3A_186 = %scan3A_156 to %scan3A_158 step %scan3A_159 iter_args(%scan3A_187 = %scan3A_155) -> (i32)  : i32 {
      %mul3A_188 = arith.constant 50 : i32
      %mul3A_189 = arith.muli %scan3A_186, %mul3A_188 : i32
      %add3A_190 = arith.constant 384 : i32
      %add3A_191 = arith.addi %mul3A_4, %add3A_190 : i32
      %add3A_192 = arith.addi %add3A_191, %scan3A_186 : i32
      %dma_start3A_193 = arith.constant 0 : i32
      %dma_start3A_194 = tpu.memref_slice %arg6[%mul3A_189, %dma_start3A_193] : memref<3200x16xf32, #tpu.memory_space<vmem>> -> memref<50x16xf32, #tpu.memory_space<vmem>>
      %dma_start3A_195 = arith.constant 0 : i32
      %dma_start3A_196 = arith.constant 0 : i32
      %dma_start3A_197 = tpu.memref_slice %arg4[%add3A_192, %dma_start3A_195, %dma_start3A_196] : memref<16384x50x16xf32, #tpu.memory_space<hbm>> -> memref<1x50x16xf32, #tpu.memory_space<hbm>>
      %dma_start3A_198 = tpu.memref_squeeze %dma_start3A_197 : memref<1x50x16xf32, #tpu.memory_space<hbm>> -> memref<50x16xf32, #tpu.memory_space<hbm>>
      %dma_start3A_199 = arith.constant 0 : i32
      %dma_start3A_200 = arith.constant 0 : i32
      %dma_start3A_201 = tpu.memref_slice %arg4[%add3A_192, %dma_start3A_199, %dma_start3A_200] : memref<16384x50x16xf32, #tpu.memory_space<hbm>> -> memref<1x50x16xf32, #tpu.memory_space<hbm>>
      %dma_start3A_202 = tpu.memref_squeeze %dma_start3A_201 : memref<1x50x16xf32, #tpu.memory_space<hbm>> -> memref<50x16xf32, #tpu.memory_space<hbm>>
      %dma_start3A_203 = arith.constant 0 : i32
      %dma_start3A_204 = tpu.memref_slice %arg6[%mul3A_189, %dma_start3A_203] : memref<3200x16xf32, #tpu.memory_space<vmem>> -> memref<50x16xf32, #tpu.memory_space<vmem>>
      tpu.enqueue_dma source(%dma_start3A_204 : memref<50x16xf32, #tpu.memory_space<vmem>>) target(%dma_start3A_202 : memref<50x16xf32, #tpu.memory_space<hbm>>) target_semaphore(%arg10 : memref<!tpu.dma_semaphore, #tpu.memory_space<semaphore_mem>>)
      %scan3A_205 = arith.constant 0 : i32
      scf.yield %scan3A_205 : i32
    }
    %scan3A_161 = arith.constant 64 : i32
    %dma_wait3A_162 = arith.constant 22400 : i32
    %dma_wait3A_163 = tpu.memref_slice %arg5[%dma_wait3A_162] : memref<25600xi32, #tpu.memory_space<vmem>> -> memref<3200xi32, #tpu.memory_space<vmem>>
    %dma_wait3A_164 = arith.constant 0 : i32
    %dma_wait3A_165 = arith.constant 0 : i32
    %dma_wait3A_166 = tpu.memref_slice %arg3[%dma_wait3A_164, %dma_wait3A_165] : memref<1000000x16xf32, #tpu.memory_space<hbm>> -> memref<1000000x16xf32, #tpu.memory_space<hbm>>
    tpu.wait_indirect_dma semaphore(%arg9 : memref<!tpu.dma_semaphore, #tpu.memory_space<semaphore_mem>>) src(%dma_wait3A_166 : memref<1000000x16xf32, #tpu.memory_space<hbm>>) dst(%arg7 : memref<3200x16xf32, #tpu.memory_space<vmem>>)
    %scan3A_167 = arith.constant 0 : i32
    %scan3A_168 = arith.constant 0 : i32
    %scan3A_169 = arith.constant 64 : i32
    %scan3A_170 = arith.addi %scan3A_168, %scan3A_169 : i32
    %scan3A_171 = arith.constant 1 : i32
    %scan3A_172 = scf.for %scan3A_186 = %scan3A_168 to %scan3A_170 step %scan3A_171 iter_args(%scan3A_187 = %scan3A_167) -> (i32)  : i32 {
      %mul3A_188 = arith.constant 50 : i32
      %mul3A_189 = arith.muli %scan3A_186, %mul3A_188 : i32
      %add3A_190 = arith.constant 448 : i32
      %add3A_191 = arith.addi %mul3A_4, %add3A_190 : i32
      %add3A_192 = arith.addi %add3A_191, %scan3A_186 : i32
      %dma_start3A_193 = arith.constant 0 : i32
      %dma_start3A_194 = tpu.memref_slice %arg7[%mul3A_189, %dma_start3A_193] : memref<3200x16xf32, #tpu.memory_space<vmem>> -> memref<50x16xf32, #tpu.memory_space<vmem>>
      %dma_start3A_195 = arith.constant 0 : i32
      %dma_start3A_196 = arith.constant 0 : i32
      %dma_start3A_197 = tpu.memref_slice %arg4[%add3A_192, %dma_start3A_195, %dma_start3A_196] : memref<16384x50x16xf32, #tpu.memory_space<hbm>> -> memref<1x50x16xf32, #tpu.memory_space<hbm>>
      %dma_start3A_198 = tpu.memref_squeeze %dma_start3A_197 : memref<1x50x16xf32, #tpu.memory_space<hbm>> -> memref<50x16xf32, #tpu.memory_space<hbm>>
      %dma_start3A_199 = arith.constant 0 : i32
      %dma_start3A_200 = arith.constant 0 : i32
      %dma_start3A_201 = tpu.memref_slice %arg4[%add3A_192, %dma_start3A_199, %dma_start3A_200] : memref<16384x50x16xf32, #tpu.memory_space<hbm>> -> memref<1x50x16xf32, #tpu.memory_space<hbm>>
      %dma_start3A_202 = tpu.memref_squeeze %dma_start3A_201 : memref<1x50x16xf32, #tpu.memory_space<hbm>> -> memref<50x16xf32, #tpu.memory_space<hbm>>
      %dma_start3A_203 = arith.constant 0 : i32
      %dma_start3A_204 = tpu.memref_slice %arg7[%mul3A_189, %dma_start3A_203] : memref<3200x16xf32, #tpu.memory_space<vmem>> -> memref<50x16xf32, #tpu.memory_space<vmem>>
      tpu.enqueue_dma source(%dma_start3A_204 : memref<50x16xf32, #tpu.memory_space<vmem>>) target(%dma_start3A_202 : memref<50x16xf32, #tpu.memory_space<hbm>>) target_semaphore(%arg11 : memref<!tpu.dma_semaphore, #tpu.memory_space<semaphore_mem>>)
      %scan3A_205 = arith.constant 0 : i32
      scf.yield %scan3A_205 : i32
    }
    %scan3A_173 = arith.constant 64 : i32
    %dma_wait3A_174 = arith.constant 0 : i32
    %dma_wait3A_175 = arith.constant 0 : i32
    %dma_wait3A_176 = tpu.memref_slice %arg3[%dma_wait3A_174, %dma_wait3A_175] : memref<1000000x16xf32, #tpu.memory_space<hbm>> -> memref<3200x16xf32, #tpu.memory_space<hbm>>
    %dma_wait3A_177 = arith.constant 0 : i32
    %dma_wait3A_178 = arith.constant 0 : i32
    %dma_wait3A_179 = tpu.memref_slice %arg3[%dma_wait3A_177, %dma_wait3A_178] : memref<1000000x16xf32, #tpu.memory_space<hbm>> -> memref<3200x16xf32, #tpu.memory_space<hbm>>
    tpu.wait_dma2 semaphore(%arg10 : memref<!tpu.dma_semaphore, #tpu.memory_space<semaphore_mem>>) src(%dma_wait3A_179 : memref<3200x16xf32, #tpu.memory_space<hbm>>) dst(%arg6 : memref<3200x16xf32, #tpu.memory_space<vmem>>)
    %dma_wait3A_180 = arith.constant 0 : i32
    %dma_wait3A_181 = arith.constant 0 : i32
    %dma_wait3A_182 = tpu.memref_slice %arg3[%dma_wait3A_180, %dma_wait3A_181] : memref<1000000x16xf32, #tpu.memory_space<hbm>> -> memref<3200x16xf32, #tpu.memory_space<hbm>>
    %dma_wait3A_183 = arith.constant 0 : i32
    %dma_wait3A_184 = arith.constant 0 : i32
    %dma_wait3A_185 = tpu.memref_slice %arg3[%dma_wait3A_183, %dma_wait3A_184] : memref<1000000x16xf32, #tpu.memory_space<hbm>> -> memref<3200x16xf32, #tpu.memory_space<hbm>>
    tpu.wait_dma2 semaphore(%arg11 : memref<!tpu.dma_semaphore, #tpu.memory_space<semaphore_mem>>) src(%dma_wait3A_185 : memref<3200x16xf32, #tpu.memory_space<hbm>>) dst(%arg7 : memref<3200x16xf32, #tpu.memory_space<vmem>>)
    return
  }
}

</mosaic_0001>

<sc_bundles>
// kernel: _embed.3.cloned.1.call-start
scs
__scs_entry_jumppad:
0x0: {  	(pc) =	sbr.rel $0x88, $3  }
0x1: {  	(tag) =	ssettag $0x0;
	lr =	simm.s32 $0x1  }
0x2: {  	[smem:$0x3F9F] =	sst lr;
	_ =	strace $0xD0000000  }
0x3: {  	_ = 	snop  }
0x4: {  	_ = 	snop  }
0x5: {  	_ = 	snop  }
0x6: {  	_ = 	snop  }
0x7: {  	_ = 	snop  }
__scs_overlays_trampoline_lowered:
0x8: {  	[smem:$0x3FAE] =	sst s0  }
0x9: {  	[smem:$0x3FAF] =	sst s1  }
0xa: {  	[smem:$0x3FB0] =	sst s2  }
0xb: {  	[smem:$0x3FB1] =	sst s3  }
0xc: {  	[smem:$0x3FB2] =	sst s4  }
0xd: {  	[smem:$0x3FB3] =	sst s5  }
0xe: {  	[smem:$0x3FB4] =	sst s6  }
0xf: {  	[smem:$0x3FB5] =	sst s7  }
0x10: {  	[smem:$0x3FB6] =	sst s8  }
0x11: {  	[smem:$0x3FB7] =	sst s9;
	s0 =	simm.s32 @!p0 $0x0  }
0x12: {  	s1 =	sld [smem:$0x3F9D];
	s0 =	simm.s32 @p0 $0x1  }
0x13: {  	[smem:$0x3FB8] =	sst s0;
	s0 =	simm.s32 @!p1 $0x0  }
0x14: {  	s2 =	sld [smem:$0x3F9C];
	s0 =	simm.s32 @p1 $0x1  }
0x15: {  	[smem:$0x3FB9] =	sst s0;
	s0 =	simm.s32 @!p2 $0x0  }
0x16: {  	s3 =	sld [smem:$0x3FDB];
	s0 =	simm.s32 @p2 $0x1  }
0x17: {  	s4 =	simm.s32 $0x1BF5;
	[smem:$0x3FBB] =	sst s0  }
0x18: {  	s0 =	sld [smem:$0x3F9E];
	_ =	swait.ge [sflag:s4], $0x0  }
0x19: {  	s7 =	sld [smem:$0x3F9F]  }
0x1a: {  	s8 =	sadd.s32 $0xFFFFE003, lr  }
0x1b: {  	s9 =	sadd.s32 $0xFFFFFEF7, lr;
	s5 =	simm.s32 $0xFFFFFFFF;
	p2 =	slt.u32 s8, $0xFFFFF086  }
0x1c: {  	p1 =	slt.u32 s9, $0xF7A;
	s5 =	simm.s32 @!p2 $0x0  }
0x1d: {  	s5 =	simm.s32 @p1 $0x1;
	p0 =	seq.s32 s7, s2  }
0x1e: {  	s7 =	smul.u32 @!p0 $0xF7A, s2;
	p2 =	seq.s32 @!p0 s5, $0x0  }
0x1f: {  	s9 =	smul.u32 $0xF7A, s1;
	s8 =	simm.s32 @!p0 $0x1BF5;
	p2 =	por !p2, p0  }
0x20: {  	[sflag:s8] =	ssyncset.s32 @!p0 $0xFFFFF086;
	s6 =	sadd.s32 @!p0 s3, s7;
	s7 =	simm.s32 @!p0 $0x108  }
0x21: {  	s3 =	sadd.s32 s3, s9;
	s6 =	sadd.s32 @!p0 $0x88, s6;
	s7 =	simm.s32 @p2 $0x1082  }
0x22: {  	[simem:s7], [sflag:s8] =	dma.local @!p0 [hbm:s6], $0xF7A  }
0x23: {  	s9 =	sor.u32 $0xD0000000, s2;
	s6 =	simm.s32 $0x108;
	_ =	swait.ge @!p0 [sflag:s8], $0x0  }
0x24: {  	s3 =	sadd.s32 $0x88, s3;
	s6 =	simm.s32 @!p1 $0x1082;
	[sflag:s4] =	ssyncset.s32 $0xFFFFF086  }
0x25: {  	[simem:s6], [sflag:s4] =	dma.local [hbm:s3], $0xF7A  }
0x26: {  	[smem:$0x3F9F] =	sst s1;
	(tag) =	ssettag s2;
	_ =	strace s9  }
0x27: {  	s1 =	sld [smem:$0x3FAF]  }
0x28: {  	s2 =	sld [smem:$0x3FB0]  }
0x29: {  	s4 =	sld [smem:$0x3FB2]  }
0x2a: {  	p0 =	seq.s32 s5, $0x0;
	s5 =	sld [smem:$0x3FB3]  }
0x2b: {  	s6 =	sld [smem:$0x3FB4]  }
0x2c: {  	s7 =	sld [smem:$0x3FB5]  }
0x2d: {  	s3 =	simm.s32 $0x108;
	s8 =	sld [smem:$0x3FB6]  }
0x2e: {  	s3 =	simm.s32 @!p0 $0x1082;
	s9 =	sld [smem:$0x3FB7]  }
0x2f: {  	lr =	sadd.s32 s0, s3;
	s0 =	sld [smem:$0x3FAE]  }
0x30: {  	s3 =	sld [smem:$0x3FB1]  }
0x31: {  	[smem:$0x3FBA] =	sst s10  }
0x32: {  	s10 =	sld [smem:$0x3FB8];
	_ =	sdelay $0x3  }
0x33: {  	p0 =	seq.s32 s10, $0x1;
	s10 =	sld [smem:$0x3FBA];
	_ =	sdelay $0x3  }
0x34: {  	[smem:$0x3FBA] =	sst s10  }
0x35: {  	s10 =	sld [smem:$0x3FB9];
	_ =	sdelay $0x3  }
0x36: {  	p1 =	seq.s32 s10, $0x1;
	s10 =	sld [smem:$0x3FBA];
	_ =	sdelay $0x3  }
0x37: {  	[smem:$0x3FBA] =	sst s10  }
0x38: {  	s10 =	sld [smem:$0x3FBB]  }
0x39: {  	_ = 	snop;
	(pc) =	sbr.ind lr, $3  }
0x3a: {  	_ = 	snop  }
0x3b: {  	_ = 	snop  }
0x3c: {  	p2 =	seq.s32 s10, $0x1;
	s10 =	sld [smem:$0x3FBA]  }
0x3d: {  	_ =	shalt  }
0x3e: {  	_ =	shalt  }
0x3f: {  	_ =	shalt  }
0x40: {  	_ =	shalt  }
0x41: {  	_ =	shalt  }
0x42: {  	_ =	shalt  }
0x43: {  	_ =	shalt  }
0x44: {  	_ =	shalt  }
0x45: {  	_ =	shalt  }
0x46: {  	_ =	shalt  }
0x47: {  	_ =	shalt  }
0x48: {  	_ =	shalt  }
0x49: {  	_ =	shalt  }
0x4a: {  	_ =	shalt  }
0x4b: {  	_ =	shalt  }
0x4c: {  	_ =	shalt  }
0x4d: {  	_ =	shalt  }
0x4e: {  	_ =	shalt  }
0x4f: {  	_ =	shalt  }
0x50: {  	_ =	shalt  }
0x51: {  	_ =	shalt  }
0x52: {  	_ =	shalt  }
0x53: {  	_ =	shalt  }
0x54: {  	_ =	shalt  }
0x55: {  	_ =	shalt  }
0x56: {  	_ =	shalt  }
0x57: {  	_ =	shalt  }
0x58: {  	_ =	shalt  }
0x59: {  	_ =	shalt  }
0x5a: {  	_ =	shalt  }
0x5b: {  	_ =	shalt  }
0x5c: {  	_ =	shalt  }
0x5d: {  	_ =	shalt  }
0x5e: {  	_ =	shalt  }
0x5f: {  	_ =	shalt  }
0x60: {  	_ =	shalt  }
0x61: {  	_ =	shalt  }
0x62: {  	_ =	shalt  }
0x63: {  	_ =	shalt  }
0x64: {  	_ =	shalt  }
0x65: {  	_ =	shalt  }
0x66: {  	_ =	shalt  }
0x67: {  	_ =	shalt  }
0x68: {  	_ =	shalt  }
0x69: {  	_ =	shalt  }
0x6a: {  	_ =	shalt  }
0x6b: {  	_ =	shalt  }
0x6c: {  	_ =	shalt  }
0x6d: {  	_ =	shalt  }
0x6e: {  	_ =	shalt  }
0x6f: {  	_ =	shalt  }
0x70: {  	_ =	shalt  }
0x71: {  	_ =	shalt  }
0x72: {  	_ =	shalt  }
0x73: {  	_ =	shalt  }
0x74: {  	_ =	shalt  }
0x75: {  	_ =	shalt  }
0x76: {  	_ =	shalt  }
0x77: {  	_ =	shalt  }
0x78: {  	_ =	shalt  }
0x79: {  	_ =	shalt  }
0x7a: {  	_ =	shalt  }
0x7b: {  	_ =	shalt  }
0x7c: {  	_ =	shalt  }
0x7d: {  	_ =	shalt  }
0x7e: {  	_ =	shalt  }
0x7f: {  	_ =	shalt  }
0x80: {  	_ =	shalt  }
0x81: {  	_ =	shalt  }
0x82: {  	_ =	shalt  }
0x83: {  	_ =	shalt  }
0x84: {  	_ =	shalt  }
0x85: {  	_ =	shalt  }
0x86: {  	_ =	shalt  }
0x87: {  	_ =	shalt  }
.Lfunc_end0:
.L_simem_size_0:
called_computation.1_lowered:
.L_overlay_start_0:
0x88: {  	s2 =	sld [smem:$0x3FD9]  }
0x89: {  	s3 =	sld [smem:$0x3FFE];
	_ =	sdelay $0x1  }
0x8a: {  	s1 =	srdreg.scid  }
0x8b: {  	s0 =	sand.u32 $0x1, s1  }
0x8c: {  	s17 =	sshll.u32 s0, $0xA;
	s2 =	sadd.s32 s3, s2  }
0x8d: {  	s2 =	sadd.s32 s2, s17  }
0x8e: {  	[smem:$0x3FC6] =	sst s2  }
0x8f: {  	_ = 	snop  }
0x90: {  	s2 =	sld [smem:$0x3FC9]  }
0x91: {  	s18 =	sld [smem:$0x3FD0];
	(tm) =	ssettm $0x1  }
0x92: {  	s4 =	sld [smem:$0x3FFB];
	_ =	sdelay $0x3  }
0x93: {  	_ =	strace s4  }
0x94: {  	s4 =	sld [smem:$0x3FFC];
	_ =	sdelay $0x3  }
0x95: {  	_ =	strace s4  }
0x96: {  	s4 =	sld [smem:$0x3FFD];
	_ =	sdelay $0x3  }
0x97: {  	_ =	strace s4  }
0x98: {  	_ =	strace $0x8FFFFFFF  }
0x99: {  	s19 =	sld [smem:$0x3FDB];
	_ =	sdelay $0x1  }
0x9a: {  	s5 =	simm.s32 $_scs_section_size  }
0x9b: {  	s6 =	simm.s32 $_size__tile_overlayer_lowered;
	s7 =	simm.s32 $_tile_overlayer_lowered  }
0x9c: {  	s22 =	simm.s32 $0x1BFF;
	s21 =	sshll.u32 s7, $0x1;
	s4 =	sadd.s32 s5, s19  }
0x9d: {  	s8 =	simm.s32 $0x0;
	s20 =	sshll.u32 s6, $0x1;
	s6 =	sadd.s32 s21, s4  }
0x9e: {  	[timem:s8], [sflag:s22] =	dma.local [hbm:s6], s20  }
0x9f: {  	_ =	swait.ge [sflag:s22], s20  }
0xa0: {  	s5 =	ssub.s32 $0x0, s20;
	[sflag:s22] =	ssyncset.done $0x0  }
0xa1: {  	[sflag:s22] =	ssyncadd.s32 s5;
	_ =	sdelay $0x1  }
0xa2: {  	s23 =	simm.s32 $0x1B8B  }
0xa3: {  	_ =	swait.ge [sflag:s23], $0x1  }
0xa4: {  	[sflag:s23] =	ssyncset.done $0x0  }
0xa5: {  	s25 =	simm.s32 $0x1B8E;
	s24 =	sld [smem:$0x3FFE];
	[sflag:s23] =	ssyncadd.s32 $0xFFFFFFFF  }
0xa6: {  	s26 =	simm.s32 $execute0_lowered;
	[smem:$0x3FD2] =	sst s25  }
0xa7: {  	s6 =	sshll.u32 s26, $0x1;
	_ =	strace $0x80000046;
	[dreg:$0x1] =	wrdreg $0xFFFFFFFF  }
0xa8: {  	s28 =	simm.s32 $_size_execute0_lowered;
	s4 =	sadd.s32 s4, s6;
	[dreg:$0x0] =	wrdreg $0x0  }
0xa9: {  	s6 =	sshll.u32 s28, $0x1;
	[dreg:$0x2] =	wrdreg s4  }
0xaa: {  	[dreg:$0x3] =	wrdreg s6  }
0xab: {  	[dreg:$0x4] =	wrdreg $0xC0  }
0xac: {  	_ =	task [dreg:s8], $0x5FFFF  }
0xad: {  	[dreg:$0x1] =	wrdreg $0xFFFFFFFF  }
0xae: {  	[dreg:$0x0] =	wrdreg $0x60  }
0xaf: {  	[dreg:$0x2] =	wrdreg s2  }
0xb0: {  	[dreg:$0x3] =	wrdreg s24  }
0xb1: {  	[dreg:$0x4] =	wrdreg s18  }
0xb2: {  	[dreg:$0x5] =	wrdreg $0x9  }
0xb3: {  	_ =	task.clear_ibuf [dreg:s8], $0x6FFFF;
	_ =	strace $0x90000046  }
0xb4: {  	s29 =	simm.s32 $0x9;
	_ =	strace $0x80000048  }
0xb5: {  	_ =	swait.ge [sflag:s29], $0x1  }
0xb6: {  	[sflag:s29] =	ssyncadd.s32 $0xFFFFFFFF  }
0xb7: {  	_ =	strace $0x90000048  }
0xb8: {  	_ =	sfence  }
0xb9: {  	s30 =	sld [smem:$0x0];
	_ =	sdelay $0x2  }
0xba: {  	s31 =	sshll.u32 s1, $0xD;
	s1 =	sshrl.u32 s1, $0x2  }
0xbb: {  	s3 =	sand.u32 $0x4000, s31;
	s1 =	sadd.s32 s1, s30  }
0xbc: {  	s0 =	sor.u32 s3, s0;
	s1 =	sshll.u32 s1, $0x11  }
0xbd: {  	s0 =	sor.u32 s1, s0  }
0xbe: {  	s0 =	sadd.s32 $0x8F2B, s0  }
0xbf: {  	[sflag:s0] =	ssyncadd.remote.s32 $0x1  }
0xc0: {  	_ =	sfence.sel $0xFFFF  }
0xc1: {  	[dreg:$0x0] =	wrdreg $0xFFFFFFFF;
	(pc) =	sbr.abs _section_cstart, $3  }
0xc2: {  	[dreg:$0x1] =	wrdreg $0xFFFFFFFF  }
0xc3: {  	_ =	task.clear_ibuf [dreg:s8], $0x2FFFF;
	_ =	strace $0x9FFFFFFF  }
0xc4: {  	(tm) =	ssettm $0x7FFFFFFF  }
0xc5: {  	_ =	shalt  }
tec
execute0_lowered:
.L_overlay_start_1:
0x0: {  	(tag) =	ssettag $0x1  }
0x1: {  	s0 =	rddreg [dreg:$0x0]  }
0x2: {  	s1 =	rddreg [dreg:$0x1]  }
0x3: {  	s13 =	rddreg [dreg:$0x2];
	s2 =	simm.s32 $0x0  }
0x4: {  	s3 =	srdreg.scid;
	s9 =	stileid.u32;
	s15 =	simm.s32 $0xC80  }
0x5: {  	s16 =	simm.s32 $0x12C00;
	s17 =	simm.s32 $0x1;
	s18 =	simm.s32 $0x3  }
0x6: {  	s28 =	simm.s32 $0x5780;
	s29 =	simm.s32 $0x0;
	s5 =	smul.u32 $0xC8000, s9  }
0x7: {  	s4 =	sand.u32 $0x1, s3;
	s19 =	sshll.u32 s9, $0x1;
	s9 =	smul.u32 $0x19000, s9  }
0x8: {  	[smem:$0x7FF] =	sst s2;
	s3 =	sadd.s32 $0xF42C00, s1;
	s7 =	smul.u32 $0x64000, s4  }
0x9: {  	_ =	strace $0x80000047;
	s6 =	sor.u32 s4, s19;
	s21 =	smul.u32 $0xC800, s4  }
0xa: {  	s20 =	ssub.s32 $0x2, s4;
	s19 =	simm.s32 $0x1900;
	s6 =	smul.u32 $0xC80, s6  }
0xb: {  	s8 =	sshrl.u32 s20, $0x1;
	s22 =	sadd.s32 s9, s13;
	s11 =	sadd.s32 s7, s5  }
0xc: {  	s1 =	ssub.s32 s20, s8;
	s20 =	simm.s32 $0x6400;
	s5 =	sadd.s32 $0xC800, s11  }
0xd: {  	s4 =	sadd.s32 s0, s6;
	s6 =	sadd.s32 s21, s22;
	s24 =	sadd.s32 $0x19000, s11  }
0xe: {  	s25 =	sadd.s32 $0x25800, s11;
	s26 =	sadd.s32 $0x32000, s11;
	s30 =	sadd.s32 $0x3E800, s11  }
0xf: {  	s31 =	sadd.s32 $0x4B000, s11;
	s11 =	sadd.s32 $0x57800, s11;
	s21 =	simm.s32 $0x2  }
0x10: {  	s22 =	simm.s32 $0x4;
	s23 =	sshrl.u32 s5, $0x3;
	s5 =	smax.u32 s1, $0x1  }
0x11: {  	s0 =	sshrl.u32 s24, $0x3;
	s1 =	sshrl.u32 s25, $0x3;
	s10 =	sshrl.u32 s26, $0x3  }
0x12: {  	s14 =	sshrl.u32 s11, $0x3;
	s24 =	simm.s32 $0x3200;
	s25 =	simm.s32 $0x3E80  }
0x13: {  	s26 =	simm.s32 $0x4B00;
	s7 =	sadd.s32 s23, s13;
	s8 =	sadd.s32 s0, s13  }
0x14: {  	s9 =	sadd.s32 s1, s13;
	s10 =	sadd.s32 s10, s13;
	s0 =	sshrl.u32 s30, $0x3  }
0x15: {  	s1 =	sshrl.u32 s31, $0x3;
	s23 =	simm.s32 $0x2580;
	s11 =	sadd.s32 s0, s13  }
0x16: {  	s12 =	sadd.s32 s1, s13;
	s13 =	sadd.s32 s14, s13;
	s14 =	simm.s32 $0x5  }
.LBB2_1:
0x17: {  	[tilespmem:s2], [sflag:$0x5] =	stream.linear.gather [hbm4b:s4+s2], $0x6400, $0x38;
	[tilespmem:$0x1F400] =	vst v63  }
0x18: {  	_ =	swait.ge [sflag:s14], $0x6400  }
0x19: {  	[sflag:s14] =	ssyncset.done $0x0  }
0x1a: {  	[sflag:s14] =	ssyncadd.s32 $0xFFFF9C00  }
0x1b: {  	[tilespmem:s20], [sflag:$0x1] =	stream.indirect.gather [hbm4b:s3+s15], $0x10, s2, s15, $0xb8;
	[tilespmem:$0x1F400] =	vst v63  }
0x1c: {  	_ = 	snop  }
0x1d: {  	[tilespmem:s16], [sflag:$0x2] =	stream.indirect.gather [hbm4b:s3+s15], $0x10, s15, s15, $0xb8;
	[tilespmem:$0x1F400] =	vst v63  }
0x1e: {  	_ =	swait.ge [sflag:s17], $0xC800  }
0x1f: {  	s30 =	simm.s32 $0x64;
	s1 =	sadd.s32 $0x0, s6;
	[sflag:s17] =	ssyncset.done $0x0  }
0x20: {  	s31 =	simm.s32 $0x6720;
	s0 =	simm.s32 $0x6400;
	[sflag:s17] =	ssyncadd.s32 $0xFFFF3800  }
.LBB2_2:
0x21: {  	[hbm4b:s1+s2] =	stream.linear.scatter [tilespmem:s0], [sflag:$0x3], $0x320, $0x38;
	[tilespmem:$0x1F400] =	vst v63  }
0x22: {  	s1 =	smov.u32 s30;
	s0 =	smov.u32 s31;
	p0 =	sne.s32 s30, $0x189C  }
.Ltmp0:
0x23: {  	s30 =	sadd.s32 $0x64, s30;
	(pc) =	sbr.rel @p0 .LBB2_2-.Ltmp0, $2  }
0x24: {  	_ =	sdelay $0x2  }
0x25: {  	s31 =	sadd.s32 $0x320, s31;
	s1 =	sadd.s32 s1, s6  }
0x26: {  	[hbm4b:s1+s2] =	stream.linear.scatter [tilespmem:s0], [sflag:$0x3], $0x320, $0x38;
	[tilespmem:$0x1F400] =	vst v63  }
0x27: {  	_ =	swait.ge [sflag:s18], $0xC800  }
0x28: {  	[sflag:s18] =	ssyncset.done $0x0  }
0x29: {  	[sflag:s18] =	ssyncadd.s32 $0xFFFF3800  }
0x2a: {  	[tilespmem:s20], [sflag:$0x1] =	stream.indirect.gather [hbm4b:s3+s15], $0x10, s19, s15, $0xb8;
	[tilespmem:$0x1F400] =	vst v63  }
0x2b: {  	_ =	swait.ge [sflag:s21], $0xC800  }
0x2c: {  	s30 =	simm.s32 $0x12C00;
	s31 =	simm.s32 $0x64;
	[sflag:s21] =	ssyncset.done $0x0  }
0x2d: {  	s1 =	sadd.s32 $0x0, s7;
	s0 =	simm.s32 $0x12F20;
	[sflag:s21] =	ssyncadd.s32 $0xFFFF3800  }
.LBB2_4:
0x2e: {  	[hbm4b:s1+s2] =	stream.linear.scatter [tilespmem:s30], [sflag:$0x4], $0x320, $0x38;
	[tilespmem:$0x1F400] =	vst v63  }
0x2f: {  	s1 =	smov.u32 s31;
	s30 =	smov.u32 s0;
	p0 =	sne.s32 s31, $0x189C  }
.Ltmp1:
0x30: {  	s31 =	sadd.s32 $0x64, s31;
	(pc) =	sbr.rel @p0 .LBB2_4-.Ltmp1, $2  }
0x31: {  	_ =	sdelay $0x2  }
0x32: {  	s0 =	sadd.s32 $0x320, s0;
	s1 =	sadd.s32 s1, s7  }
0x33: {  	[hbm4b:s1+s2] =	stream.linear.scatter [tilespmem:s30], [sflag:$0x4], $0x320, $0x38;
	[tilespmem:$0x1F400] =	vst v63  }
0x34: {  	_ =	swait.ge [sflag:s22], $0xC800  }
0x35: {  	[sflag:s22] =	ssyncset.done $0x0  }
0x36: {  	[sflag:s22] =	ssyncadd.s32 $0xFFFF3800  }
0x37: {  	[tilespmem:s16], [sflag:$0x2] =	stream.indirect.gather [hbm4b:s3+s15], $0x10, s23, s15, $0xb8;
	[tilespmem:$0x1F400] =	vst v63  }
0x38: {  	_ =	swait.ge [sflag:s17], $0xC800  }
0x39: {  	s30 =	simm.s32 $0x6400;
	s31 =	simm.s32 $0x64;
	[sflag:s17] =	ssyncset.done $0x0  }
0x3a: {  	s1 =	sadd.s32 $0x0, s8;
	s0 =	simm.s32 $0x6720;
	[sflag:s17] =	ssyncadd.s32 $0xFFFF3800  }
.LBB2_6:
0x3b: {  	[hbm4b:s1+s2] =	stream.linear.scatter [tilespmem:s30], [sflag:$0x3], $0x320, $0x38;
	[tilespmem:$0x1F400] =	vst v63  }
0x3c: {  	s1 =	smov.u32 s31;
	s30 =	smov.u32 s0;
	p0 =	sne.s32 s31, $0x189C  }
.Ltmp2:
0x3d: {  	s31 =	sadd.s32 $0x64, s31;
	(pc) =	sbr.rel @p0 .LBB2_6-.Ltmp2, $2  }
0x3e: {  	_ =	sdelay $0x2  }
0x3f: {  	s0 =	sadd.s32 $0x320, s0;
	s1 =	sadd.s32 s1, s8  }
0x40: {  	[hbm4b:s1+s2] =	stream.linear.scatter [tilespmem:s30], [sflag:$0x3], $0x320, $0x38;
	[tilespmem:$0x1F400] =	vst v63  }
0x41: {  	_ =	swait.ge [sflag:s18], $0xC800  }
0x42: {  	[sflag:s18] =	ssyncset.done $0x0  }
0x43: {  	[sflag:s18] =	ssyncadd.s32 $0xFFFF3800  }
0x44: {  	[tilespmem:s20], [sflag:$0x1] =	stream.indirect.gather [hbm4b:s3+s15], $0x10, s24, s15, $0xb8;
	[tilespmem:$0x1F400] =	vst v63  }
0x45: {  	_ =	swait.ge [sflag:s21], $0xC800  }
0x46: {  	s30 =	simm.s32 $0x12C00;
	s31 =	simm.s32 $0x64;
	[sflag:s21] =	ssyncset.done $0x0  }
0x47: {  	s1 =	sadd.s32 $0x0, s9;
	s0 =	simm.s32 $0x12F20;
	[sflag:s21] =	ssyncadd.s32 $0xFFFF3800  }
.LBB2_8:
0x48: {  	[hbm4b:s1+s2] =	stream.linear.scatter [tilespmem:s30], [sflag:$0x4], $0x320, $0x38;
	[tilespmem:$0x1F400] =	vst v63  }
0x49: {  	s1 =	smov.u32 s31;
	s30 =	smov.u32 s0;
	p0 =	sne.s32 s31, $0x189C  }
.Ltmp3:
0x4a: {  	s31 =	sadd.s32 $0x64, s31;
	(pc) =	sbr.rel @p0 .LBB2_8-.Ltmp3, $2  }
0x4b: {  	_ =	sdelay $0x2  }
0x4c: {  	s0 =	sadd.s32 $0x320, s0;
	s1 =	sadd.s32 s1, s9  }
0x4d: {  	[hbm4b:s1+s2] =	stream.linear.scatter [tilespmem:s30], [sflag:$0x4], $0x320, $0x38;
	[tilespmem:$0x1F400] =	vst v63  }
0x4e: {  	_ =	swait.ge [sflag:s22], $0xC800  }
0x4f: {  	[sflag:s22] =	ssyncset.done $0x0  }
0x50: {  	[sflag:s22] =	ssyncadd.s32 $0xFFFF3800  }
0x51: {  	[tilespmem:s16], [sflag:$0x2] =	stream.indirect.gather [hbm4b:s3+s15], $0x10, s25, s15, $0xb8;
	[tilespmem:$0x1F400] =	vst v63  }
0x52: {  	_ =	swait.ge [sflag:s17], $0xC800  }
0x53: {  	s30 =	simm.s32 $0x6400;
	s31 =	simm.s32 $0x64;
	[sflag:s17] =	ssyncset.done $0x0  }
0x54: {  	s1 =	sadd.s32 $0x0, s10;
	s0 =	simm.s32 $0x6720;
	[sflag:s17] =	ssyncadd.s32 $0xFFFF3800  }
.LBB2_10:
0x55: {  	[hbm4b:s1+s2] =	stream.linear.scatter [tilespmem:s30], [sflag:$0x3], $0x320, $0x38;
	[tilespmem:$0x1F400] =	vst v63  }
0x56: {  	s1 =	smov.u32 s31;
	s30 =	smov.u32 s0;
	p0 =	sne.s32 s31, $0x189C  }
.Ltmp4:
0x57: {  	s31 =	sadd.s32 $0x64, s31;
	(pc) =	sbr.rel @p0 .LBB2_10-.Ltmp4, $2  }
0x58: {  	_ =	sdelay $0x2  }
0x59: {  	s0 =	sadd.s32 $0x320, s0;
	s1 =	sadd.s32 s1, s10  }
0x5a: {  	[hbm4b:s1+s2] =	stream.linear.scatter [tilespmem:s30], [sflag:$0x3], $0x320, $0x38;
	[tilespmem:$0x1F400] =	vst v63  }
0x5b: {  	_ =	swait.ge [sflag:s18], $0xC800  }
0x5c: {  	[sflag:s18] =	ssyncset.done $0x0  }
0x5d: {  	[sflag:s18] =	ssyncadd.s32 $0xFFFF3800  }
0x5e: {  	[tilespmem:s20], [sflag:$0x1] =	stream.indirect.gather [hbm4b:s3+s15], $0x10, s26, s15, $0xb8;
	[tilespmem:$0x1F400] =	vst v63  }
0x5f: {  	_ =	swait.ge [sflag:s21], $0xC800  }
0x60: {  	s30 =	simm.s32 $0x12C00;
	s31 =	simm.s32 $0x64;
	[sflag:s21] =	ssyncset.done $0x0  }
0x61: {  	s1 =	sadd.s32 $0x0, s11;
	s0 =	simm.s32 $0x12F20;
	[sflag:s21] =	ssyncadd.s32 $0xFFFF3800  }
.LBB2_12:
0x62: {  	[hbm4b:s1+s2] =	stream.linear.scatter [tilespmem:s30], [sflag:$0x4], $0x320, $0x38;
	[tilespmem:$0x1F400] =	vst v63  }
0x63: {  	s1 =	smov.u32 s31;
	s30 =	smov.u32 s0;
	p0 =	sne.s32 s31, $0x189C  }
.Ltmp5:
0x64: {  	s31 =	sadd.s32 $0x64, s31;
	(pc) =	sbr.rel @p0 .LBB2_12-.Ltmp5, $2  }
0x65: {  	_ =	sdelay $0x2  }
0x66: {  	s0 =	sadd.s32 $0x320, s0;
	s1 =	sadd.s32 s1, s11  }
0x67: {  	[hbm4b:s1+s2] =	stream.linear.scatter [tilespmem:s30], [sflag:$0x4], $0x320, $0x38;
	[tilespmem:$0x1F400] =	vst v63  }
0x68: {  	_ =	swait.ge [sflag:s22], $0xC800  }
0x69: {  	[sflag:s22] =	ssyncset.done $0x0  }
0x6a: {  	[sflag:s22] =	ssyncadd.s32 $0xFFFF3800  }
0x6b: {  	[tilespmem:s16], [sflag:$0x2] =	stream.indirect.gather [hbm4b:s3+s15], $0x10, s28, s15, $0xb8;
	[tilespmem:$0x1F400] =	vst v63  }
0x6c: {  	_ =	swait.ge [sflag:s17], $0xC800  }
0x6d: {  	s30 =	simm.s32 $0x6400;
	s31 =	simm.s32 $0x64;
	[sflag:s17] =	ssyncset.done $0x0  }
0x6e: {  	s1 =	sadd.s32 $0x0, s12;
	s0 =	simm.s32 $0x6720;
	[sflag:s17] =	ssyncadd.s32 $0xFFFF3800  }
.LBB2_14:
0x6f: {  	[hbm4b:s1+s2] =	stream.linear.scatter [tilespmem:s30], [sflag:$0x3], $0x320, $0x38;
	[tilespmem:$0x1F400] =	vst v63  }
0x70: {  	s1 =	smov.u32 s31;
	s30 =	smov.u32 s0;
	p0 =	sne.s32 s31, $0x189C  }
.Ltmp6:
0x71: {  	s31 =	sadd.s32 $0x64, s31;
	(pc) =	sbr.rel @p0 .LBB2_14-.Ltmp6, $2  }
0x72: {  	_ =	sdelay $0x2  }
0x73: {  	s0 =	sadd.s32 $0x320, s0;
	s1 =	sadd.s32 s1, s12  }
0x74: {  	[hbm4b:s1+s2] =	stream.linear.scatter [tilespmem:s30], [sflag:$0x3], $0x320, $0x38;
	[tilespmem:$0x1F400] =	vst v63  }
0x75: {  	_ =	swait.ge [sflag:s21], $0xC800  }
0x76: {  	s30 =	simm.s32 $0x12C00;
	s31 =	simm.s32 $0x64;
	[sflag:s21] =	ssyncset.done $0x0  }
0x77: {  	s1 =	sadd.s32 $0x0, s13;
	s0 =	simm.s32 $0x12F20;
	[sflag:s21] =	ssyncadd.s32 $0xFFFF3800  }
.LBB2_16:
0x78: {  	[hbm4b:s1+s2] =	stream.linear.scatter [tilespmem:s30], [sflag:$0x4], $0x320, $0x38;
	[tilespmem:$0x1F400] =	vst v63  }
0x79: {  	s1 =	smov.u32 s31;
	s30 =	smov.u32 s0;
	p0 =	sne.s32 s31, $0x189C  }
.Ltmp7:
0x7a: {  	s31 =	sadd.s32 $0x64, s31;
	(pc) =	sbr.rel @p0 .LBB2_16-.Ltmp7, $2  }
0x7b: {  	_ =	sdelay $0x2  }
0x7c: {  	s0 =	sadd.s32 $0x320, s0;
	s1 =	sadd.s32 s1, s13  }
0x7d: {  	[hbm4b:s1+s2] =	stream.linear.scatter [tilespmem:s30], [sflag:$0x4], $0x320, $0x38;
	[tilespmem:$0x1F400] =	vst v63  }
0x7e: {  	s29 =	sadd.s32 $0x1, s29  }
0x7f: {  	_ =	swait.ge [sflag:s18], $0xC800;
	p0 =	sne.s32 s29, s5  }
.Ltmp8:
0x80: {  	[sflag:s18] =	ssyncset.done $0x0;
	(pc) =	sbr.rel @p0 .LBB2_1-.Ltmp8, $4  }
0x81: {  	[sflag:s18] =	ssyncadd.s32 $0xFFFF3800  }
0x82: {  	_ =	swait.ge [sflag:s22], $0xC800  }
0x83: {  	[sflag:s22] =	ssyncset.done $0x0  }
0x84: {  	[sflag:s22] =	ssyncadd.s32 $0xFFFF3800  }
0x85: {  	_ =	sfence.sel $0x180000  }
0x86: {  	[bflag:$0x0] =	sbarrier.arrive $0xFFFF  }
0x87: {  	_ =	strace $0x90000047  }
0x88: {  	s0 =	stileid.u32;
	[bflag:$0x2] =	sbarrier.arrive $0xFFFF  }
0x89: {  	p0 =	sne.s32 s0, $0x0;
	s0 =	rddreg [dreg:$0x3]  }
0x8a: {  	s0 =	sadd.s32 @!p0 $0x100000, s0  }
0x8b: {  	[sflag:s0] =	ssyncadd.tile.s32 @!p0 $0x1;
	_ =	shalt  }
.Lfunc_end2:
_tile_overlayer_lowered:
.L_overlay_start_2:
0x8c: {  	(tag) =	ssettag $0x2  }
0x8d: {  	s0 =	rddreg [dreg:$0x0];
	s2 =	stileid.u32  }
0x8e: {  	s1 =	rddreg [dreg:$0x1];
	p0 =	sne.s32 s2, $0x0  }
0x8f: {  	s3 =	rddreg [dreg:$0x2];
	[bflag:$0x3] =	sbarrier.arrive $0xFFFF;
	s2 =	simm.s32 @!p0 $0x1C05  }
0x90: {  	[timem:s3], [sflag:s2] =	dma.local @!p0 [hbm:s0], s1  }
0x91: {  	s0 =	simm.s32 @!p0 $0x5  }
0x92: {  	_ =	swait.ge @!p0 [sflag:s0], s1  }
0x93: {  	s1 =	ssub.s32 @!p0 $0x0, s1;
	[sflag:s0] =	ssyncset.done @!p0 $0x0  }
0x94: {  	[sflag:s0] =	ssyncadd.s32 @!p0 s1  }
0x95: {  	[bflag:$0x3] =	sbarrier.arrive $0xFFFF  }
0x96: {  	_ =	shalt  }

// kernel: sparse-core-data-format-call.cloned.1.call-start
scs
called_computation_lowered:
.L_overlay_start_0:
0x0: {  	s2 =	sld [smem:$0x3FD9]  }
0x1: {  	s3 =	sld [smem:$0x3FFE];
	_ =	sdelay $0x1  }
0x2: {  	s1 =	srdreg.scid  }
0x3: {  	s0 =	sand.u32 $0x1, s1  }
0x4: {  	s18 =	sshll.u32 s0, $0xA;
	s2 =	sadd.s32 s3, s2  }
0x5: {  	s2 =	sadd.s32 s2, s18  }
0x6: {  	[smem:$0x3FC6] =	sst s2  }
0x7: {  	_ = 	snop  }
0x8: {  	s2 =	sld [smem:$0x3FD0];
	(tm) =	ssettm $0x1  }
0x9: {  	s19 =	sld [smem:$0x3FFB];
	_ =	sdelay $0x3  }
0xa: {  	_ =	strace s19  }
0xb: {  	s3 =	sld [smem:$0x3FFC];
	_ =	sdelay $0x3  }
0xc: {  	_ =	strace s3  }
0xd: {  	s3 =	sld [smem:$0x3FFD];
	_ =	sdelay $0x3  }
0xe: {  	_ =	strace s3  }
0xf: {  	_ =	strace $0x8FFFFFFF  }
0x10: {  	s20 =	sld [smem:$0x3FDB];
	_ =	sdelay $0x1  }
0x11: {  	s4 =	simm.s32 $_scs_section_size  }
0x12: {  	s5 =	simm.s32 $_size__tile_overlayer_lowered;
	s6 =	simm.s32 $_tile_overlayer_lowered  }
0x13: {  	s23 =	simm.s32 $0x1BFF;
	s22 =	sshll.u32 s6, $0x1;
	s3 =	sadd.s32 s4, s20  }
0x14: {  	s7 =	simm.s32 $0x0;
	s21 =	sshll.u32 s5, $0x1;
	s5 =	sadd.s32 s22, s3  }
0x15: {  	[timem:s7], [sflag:s23] =	dma.local [hbm:s5], s21  }
0x16: {  	_ =	swait.ge [sflag:s23], s21  }
0x17: {  	s4 =	ssub.s32 $0x0, s21;
	[sflag:s23] =	ssyncset.done $0x0  }
0x18: {  	[sflag:s23] =	ssyncadd.s32 s4;
	_ =	sdelay $0x1  }
0x19: {  	s24 =	simm.s32 $0x1B8B  }
0x1a: {  	_ =	swait.ge [sflag:s24], $0x1  }
0x1b: {  	[sflag:s24] =	ssyncset.done $0x0  }
0x1c: {  	s26 =	simm.s32 $0x1B8E;
	s25 =	sld [smem:$0x3FFE];
	[sflag:s24] =	ssyncadd.s32 $0xFFFFFFFF  }
0x1d: {  	s27 =	simm.s32 $execute0_lowered;
	[smem:$0x3FD2] =	sst s26  }
0x1e: {  	s5 =	sshll.u32 s27, $0x1;
	_ =	strace $0x80000049;
	[dreg:$0x1] =	wrdreg $0xFFFFFFFF  }
0x1f: {  	s28 =	simm.s32 $_size_execute0_lowered;
	s3 =	sadd.s32 s3, s5;
	[dreg:$0x0] =	wrdreg $0x0  }
0x20: {  	s5 =	sshll.u32 s28, $0x1;
	[dreg:$0x2] =	wrdreg s3  }
0x21: {  	[dreg:$0x3] =	wrdreg s5  }
0x22: {  	[dreg:$0x4] =	wrdreg $0xC0  }
0x23: {  	_ =	task [dreg:s7], $0x5FFFF  }
0x24: {  	[dreg:$0x1] =	wrdreg $0xFFFFFFFF  }
0x25: {  	[dreg:$0x0] =	wrdreg $0x60  }
0x26: {  	[dreg:$0x2] =	wrdreg s25  }
0x27: {  	[dreg:$0x3] =	wrdreg s2  }
0x28: {  	[dreg:$0x4] =	wrdreg $0x9  }
0x29: {  	_ =	task.clear_ibuf [dreg:s7], $0x5FFFF;
	_ =	strace $0x90000049  }
0x2a: {  	s29 =	simm.s32 $0x9;
	_ =	strace $0x8000004B  }
0x2b: {  	_ =	swait.ge [sflag:s29], $0x1  }
0x2c: {  	[sflag:s29] =	ssyncadd.s32 $0xFFFFFFFF  }
0x2d: {  	_ =	strace $0x9000004B  }
0x2e: {  	_ =	sfence  }
0x2f: {  	s30 =	sld [smem:$0x0];
	_ =	sdelay $0x2  }
0x30: {  	s31 =	sshll.u32 s1, $0xD;
	s1 =	sshrl.u32 s1, $0x2  }
0x31: {  	s3 =	sand.u32 $0x4000, s31;
	s1 =	sadd.s32 s1, s30  }
0x32: {  	s0 =	sor.u32 s3, s0;
	s1 =	sshll.u32 s1, $0x11  }
0x33: {  	s0 =	sor.u32 s1, s0  }
0x34: {  	s0 =	sadd.s32 $0x8F2B, s0  }
0x35: {  	[sflag:s0] =	ssyncadd.remote.s32 $0x1  }
0x36: {  	_ =	sfence.sel $0xFFFF  }
0x37: {  	[dreg:$0x0] =	wrdreg $0xFFFFFFFF;
	(pc) =	sbr.abs _section_cstart, $3  }
0x38: {  	[dreg:$0x1] =	wrdreg $0xFFFFFFFF  }
0x39: {  	_ =	task.clear_ibuf [dreg:s7], $0x2FFFF;
	_ =	strace $0x9FFFFFFF  }
0x3a: {  	(tm) =	ssettm $0x7FFFFFFF  }
0x3b: {  	_ =	shalt  }
tec
execute0_lowered:
.L_overlay_start_1:
0x0: {  	(tag) =	ssettag $0x1  }
0x1: {  	s0 =	srdreg.scid  }
0x2: {  	s1 =	sshll.u32 s0, $0x4  }
0x3: {  	s0 =	stileid.u32;
	s1 =	sand.u32 $0x10, s1  }
0x4: {  	s1 =	sor.u32 s0, s1  }
0x5: {  	s6 =	rddreg [dreg:$0x0];
	s4 =	simm.s32 $0x1;
	s2 =	sshll.u32 s1, $0x7  }
0x6: {  	s7 =	simm.s32 $0x2;
	s12 =	simm.s32 $0x0;
	s1 =	ssub.s32 $0x4000, s2  }
0x7: {  	s8 =	simm.s32 $0x20000;
	s13 =	simm.s32 $0x0;
	s3 =	sand.u32 $0xF80, s1  }
0x8: {  	s9 =	simm.s32 $0x0;
	s5 =	sshrl.u32 s1, $0xC;
	p0 =	sne.s32 s3, $0x0  }
.Ltmp0:
0x9: {  	s1 =	rddreg [dreg:$0x2];
	s4 =	simm.s32 @!p0 $0x0;
	(pc) =	sbr.rel .LBB1_1-.Ltmp0, $4  }
0xa: {  	s11 =	simm.s32 $0x0;
	s3 =	rddreg [dreg:$0x1];
	s5 =	sadd.s32 s4, s5  }
0xb: {  	_ =	strace $0x8000004A;
	s4 =	simm.s32 $0x1;
	s5 =	smul.u32 $0x32, s5  }
0xc: {  	s6 =	sadd.s32 $0x800, s6;
	s10 =	smov.u32 s2;
	[sflag:s4] =	ssyncpa.u1 $0x0  }
0xd: {  	p0 =	por $0x0, $0x0;
	[sflag:s7] =	ssyncpa.u1 $0x0;
	s7 =	sor.u32 $0x1, s5  }
.LBB1_4:
0xe: {  	s16 =	sshll.u32 s13, $0x3;
	s17 =	sand.u32 $0x78, s13  }
0xf: {  	s30 =	sand.u32 $0x7800, s13;
	s12 =	sshll.u32 s12, $0xF;
	s16 =	sand.u32 $0x3C00, s16  }
0x10: {  	s31 =	sand.u32 $0x7, s13;
	s16 =	sor.u32 s17, s16;
	s17 =	sadd.s32 s3, s30  }
0x11: {  	s13 =	sshll.u32 s31, $0x12;
	s16 =	sshrl.u32 s16, $0x3;
	s12 =	sadd.s32 s12, s17  }
0x12: {  	[tilespmem:s15+$0x0 ss:$0x81] =	vst.msk $0xffff, v1;
	s13 =	sor.u32 $0x400, s13;
	s12 =	sadd.s32 s16, s12  }
0x13: {  	[hbm4b:s12+s13] =	stream.strided.scatter [tilespmem:s14], [sflag:$0x2], $0x800, s8, s13, $0x20;
	[tilespmem:$0x2020] =	vst v63  }
.LBB1_5:
0x14: {  	s14 =	sadd.s32 $0x1, s9  }
0x15: {  	s12 =	sadd.s32 $0x1000, s10;
	s16 =	smov.u32 s10;
	p2 =	sgt.s32 s14, $0x31  }
0x16: {  	s16 =	smov.u32 @p2 s12  }
0x17: {  	s14 =	simm.s32 @p2 $0x0;
	p2 =	sgt.s32 s16, $0x3FFF  }
0x18: {  	s16 =	smov.u32 @p2 s2;
	p2 =	sne.s32 s11, s7  }
.Ltmp1:
0x19: {  	p1 =	slt.u32 s11, $0x2;
	(pc) =	sbr.rel @!p2 .LBB1_6-.Ltmp1, $4  }
0x1a: {  	s15 =	simm.s32 @!p1 $0x2  }
0x1b: {  	s13 =	smov.u32 s10;
	p0 =	por !p0, !p0;
	_ =	swait.ge @!p1 [sflag:s15], $0x800  }
0x1c: {  	s12 =	smov.u32 s9;
	[sflag:s15] =	ssyncset.done @!p1 $0x0;
	s9 =	smov.u32 s14  }
0x1d: {  	s11 =	sadd.s32 $0x1, s11;
	[sflag:s15] =	ssyncadd.s32 @!p1 $0xFFFFF800;
	s10 =	smov.u32 s16  }
.LBB1_1:
0x1e: {  	p1 =	sge.u32 s11, s5  }
0x1f: {  	s14 =	sand.u32 @!p1 $0x1FFFFFF, s9  }
0x20: {  	s15 =	smulhi.u32 @!p1 $0x4924925, s14;
	_ =	sdelay $0x1  }
0x21: {  	s15 =	smul.u32 @!p1 $0x38, s15  }
0x22: {  	s16 =	sxor.u32 @!p1 $0xFFFFFFFF, s11;
	s17 =	smul.u32 @!p1 $0x380, s10  }
0x23: {  	s31 =	sadd.s32 $0xFFFFFFFF, s11;
	s16 =	sshll.u32 @!p1 s16, $0xB;
	s14 =	ssub.s32 @!p1 s14, s15  }
0x24: {  	s15 =	sand.u32 @!p1 $0x800, s16;
	s16 =	sadd.s32 @!p1 s6, s17;
	s14 =	sshll.u32 @!p1 s14, $0x4  }
0x25: {  	s17 =	simm.s32 @!p1 $0x1C00;
	s14 =	sadd.s32 @!p1 s14, s16;
	s16 =	simm.s32 @!p1 $0x10  }
0x26: {  	[tilespmem:s15], [sflag:$0x1] =	stream.strided.gather @!p1 [hbm4b:s14+s16], $0x800, s17, s16, $0x38;
	[tilespmem:$0x2020] =	vst v63  }
0x27: {  	p1 =	sge.u32 s31, s5  }
.Ltmp2:
0x28: {  	_ = 	snop;
	(pc) =	sbr.rel @p1 .LBB1_5-.Ltmp2, $1  }
0x29: {  	_ =	sdelay $0x3  }
0x2a: {  	s14 =	simm.s32 $0x1  }
0x2b: {  	s14 =	simm.s32 @!p0 $0x0  }
0x2c: {  	s15 =	sshll.u32 s14, $0xB  }
0x2d: {  	v0 =	vmov s15;
	_ =	sdelay $0x1  }
0x2e: {  	_ =	swait.ge [sflag:s4], $0x800  }
0x2f: {  	s31 =	sand.u32 $0x1, s11;
	[sflag:s4] =	ssyncset.done $0x0  }
0x30: {  	s17 =	simm.s32 $0x0;
	s14 =	smul.u32 $0x2040, s14;
	[sflag:s4] =	ssyncadd.s32 $0xFFFFF800  }
0x31: {  	s15 =	smul.u32 $0x2040, s31;
	v1 =	vld.idx.msk [tilespmem:v0+s17+$0x0 ss:$0x1], $0xffff;
	_ =	sdelay $0x1  }
0x32: {  	s14 =	sshrl.u32 s14, $0x2;
	s16 =	sshrl.u32 s15, $0x2  }
0x33: {  	s15 =	sor.u32 $0x1000, s14;
	s14 =	sor.u32 $0x1000, s16;
	s16 =	simm.s32 $0x40  }
.LBB1_3:
0x34: {  	s17 =	sshra.s32 s16, $0x2;
	p1 =	sne.s32 s16, $0x1FC0;
	s16 =	sadd.s32 $0x40, s16  }
.Ltmp3:
0x35: {  	[tilespmem:s15+$0x0 ss:$0x81] =	vst.msk $0xffff, v1;
	v1 =	vld.idx.msk [tilespmem:v0+s17+$0x0 ss:$0x1], $0xffff;
	(pc) =	sbr.rel @p1 .LBB1_3-.Ltmp3, $2  }
0x36: {  	_ =	sdelay $0x2  }
0x37: {  	s15 =	sadd.s32 $0x1, s15  }
.Ltmp4:
0x38: {  	_ = 	snop;
	(pc) =	sbr.rel .LBB1_4-.Ltmp4, $1  }
0x39: {  	_ =	sdelay $0x3  }
.LBB1_6:
0x3a: {  	_ =	sfence.sel $0x180000  }
0x3b: {  	s2 =	simm.s32 $0x1;
	[bflag:$0x0] =	sbarrier.arrive $0xFFFF  }
0x3c: {  	s31 =	simm.s32 $0x2;
	[sflag:s2] =	ssyncpa.u1 $0x1  }
0x3d: {  	[sflag:s31] =	ssyncpa.u1 $0x1  }
0x3e: {  	p0 =	sne.s32 s0, $0x0;
	_ =	strace $0x9000004A  }
0x3f: {  	s0 =	sadd.s32 @!p0 $0x100000, s1;
	[bflag:$0x2] =	sbarrier.arrive $0xFFFF  }
0x40: {  	[sflag:s0] =	ssyncadd.tile.s32 @!p0 $0x1;
	_ =	shalt  }
.Lfunc_end1:
_tile_overlayer_lowered:
.L_overlay_start_2:
0x41: {  	(tag) =	ssettag $0x2  }
0x42: {  	s0 =	rddreg [dreg:$0x0];
	s2 =	stileid.u32  }
0x43: {  	s1 =	rddreg [dreg:$0x1];
	p0 =	sne.s32 s2, $0x0  }
0x44: {  	s3 =	rddreg [dreg:$0x2];
	[bflag:$0x3] =	sbarrier.arrive $0xFFFF;
	s2 =	simm.s32 @!p0 $0x1C01  }
0x45: {  	[timem:s3], [sflag:s2] =	dma.local @!p0 [hbm:s0], s1  }
0x46: {  	s0 =	simm.s32 @!p0 $0x1  }
0x47: {  	_ =	swait.ge @!p0 [sflag:s0], s1  }
0x48: {  	s1 =	ssub.s32 @!p0 $0x0, s1;
	[sflag:s0] =	ssyncset.done @!p0 $0x0  }
0x49: {  	[sflag:s0] =	ssyncadd.s32 @!p0 s1  }
0x4a: {  	[bflag:$0x3] =	sbarrier.arrive $0xFFFF  }
0x4b: {  	_ =	shalt  }

</sc_bundles>
